<compile_context>
chip_gen: v7x
topology: tpu7x:2x2x1
jax: 0.10.2.dev20260603
libtpu: 0.0.44.dev20260713+nightly
codegen_flags: <defaults>
</compile_context>

<pallas_src>
import functools

import numpy as np
import jax
import jax.numpy as jnp
from jax import lax
from jax.experimental import pallas as pl
from jax.experimental.pallas import tpu as pltpu
from jax.experimental.pallas import tpu_sc as plsc

_FEAT_STRIDE = 16
_PRE_NMS = 6000
_POST_NMS = 300
_NMS_THRESH = 0.7
_N = 9 * 64 * 64
_ROWS, _COLS = 8, 4608
_CN = 6144
_CCOLS = _CN // 8
_SLAB = _CN + _N
_NEG = -jnp.inf


def _gen_anchors():
    base = np.array([1, 1, _FEAT_STRIDE, _FEAT_STRIDE], dtype=np.float64) - 1
    w = base[2] - base[0] + 1.0
    h = base[3] - base[1] + 1.0
    xc, yc = base[0] + 0.5 * (w - 1), base[1] + 0.5 * (h - 1)
    ratios = np.array([0.5, 1.0, 2.0])
    size = w * h
    ws_r = np.round(np.sqrt(size / ratios))
    hs_r = np.round(ws_r * ratios)
    anchors = []
    for wr, hr in zip(ws_r, hs_r):
        for s in (8.0, 16.0, 32.0):
            wss, hss = wr * s, hr * s
            anchors.append([xc - 0.5 * (wss - 1), yc - 0.5 * (hss - 1),
                            xc + 0.5 * (wss - 1), yc + 0.5 * (hss - 1)])
    return np.array(anchors, dtype=np.float64)


def _anchor_planes():
    a = _gen_anchors()
    sx = np.arange(64, dtype=np.float64) * _FEAT_STRIDE
    SX, SY = np.meshgrid(sx, sx)
    shift = np.stack([SX.ravel(), SY.ravel(), SX.ravel(), SY.ravel()], axis=1)
    full = (a[None, :, :] + shift[:, None, :]).reshape(_N, 4)
    x1, y1, x2, y2 = full[:, 0], full[:, 1], full[:, 2], full[:, 3]
    W = x2 - x1 + 1.0
    H = y2 - y1 + 1.0
    CX = x1 + 0.5 * W
    CY = y1 + 0.5 * H
    return [p.reshape(_ROWS, _COLS).astype(np.float32) for p in (W, H, CX, CY)]


_ANCHOR_PLANES = _anchor_planes()


def _cumsum_lanes(x, n):
    sh = 1
    r, c = x.shape
    while sh < n:
        x = x + jnp.concatenate(
            [jnp.zeros((r, sh), dtype=x.dtype), x[:, : c - sh]], axis=1)
        sh *= 2
    return x


def _cumsum_rows(x, n):
    sh = 1
    r, c = x.shape
    while sh < n:
        x = x + jnp.concatenate(
            [jnp.zeros((sh, c), dtype=x.dtype), x[: r - sh, :]], axis=0)
        sh *= 2
    return x


def _stage_a_kernel(sc_ref, dx_ref, dy_ref, dw_ref, dh_ref,
                    aw_ref, ah_ref, acx_ref, acy_ref, bnd_ref,
                    x1_ref, y1_ref, x2_ref, y2_ref, dst_ref):
    b = pl.program_id(0)

    W = aw_ref[...]
    H = ah_ref[...]
    pcx = dx_ref[0] * W + acx_ref[...]
    pcy = dy_ref[0] * H + acy_ref[...]
    pw = jnp.exp(dw_ref[0]) * W
    ph = jnp.exp(dh_ref[0]) * H
    mw = bnd_ref[0, 0] - 1.0
    mh = bnd_ref[0, 1] - 1.0
    x1_ref[0] = jnp.clip(pcx - 0.5 * pw, 0.0, mw)
    y1_ref[0] = jnp.clip(pcy - 0.5 * ph, 0.0, mh)
    x2_ref[0] = jnp.clip(pcx + 0.5 * pw, 0.0, mw)
    y2_ref[0] = jnp.clip(pcy + 0.5 * ph, 0.0, mh)

    s = sc_ref[0]
    si = lax.bitcast_convert_type(s, jnp.int32)
    keys = jnp.where(si < 0, si ^ jnp.int32(0x7FFFFFFF), si)

    sign = jnp.int32(-2147483648)
    cand = jnp.int32(0)
    for bbit in range(31, -1, -1):
        bit = jnp.int32(-(1 << 31)) if bbit == 31 else jnp.int32(1 << bbit)
        cand2 = cand | bit
        cnt = jnp.sum((keys >= (cand2 ^ sign)).astype(jnp.int32))
        cand = jnp.where(cnt >= _PRE_NMS, cand2, cand)
    Vs = cand ^ sign

    ri = lax.broadcasted_iota(jnp.int32, (_ROWS, _COLS), 0)
    ci = lax.broadcasted_iota(jnp.int32, (_ROWS, _COLS), 1)
    idx = ri * _COLS + ci

    c_gt = jnp.sum((keys > Vs).astype(jnp.int32))
    r = jnp.int32(_PRE_NMS) - c_gt
    eq = keys == Vs
    mc = jnp.int32(0)
    for bbit in range(16, -1, -1):
        cand2 = mc | jnp.int32(1 << bbit)
        g = jnp.sum((eq & (idx < cand2)).astype(jnp.int32))
        mc = jnp.where(g <= r, cand2, mc)
    mask = (keys > Vs) | (eq & (idx < mc))

    m32 = mask.astype(jnp.int32)
    c1 = _cumsum_lanes(m32, _COLS)
    rowtot = c1[:, _COLS - 1:_COLS]
    rowoff = _cumsum_rows(rowtot, _ROWS) - rowtot
    rank = c1 + rowoff
    base = b * _SLAB
    dst_ref[0] = jnp.where(mask, rank - 1 + base,
                           jnp.int32(_CN) + (idx - rank) + base)


def _stage_b_kernel(rows, x1h, y1h, x2h, y2h, sch, dsth,
                    cx1h, cy1h, cx2h, cy2h, csch,
                    dst_v, p0, p1, p2, p3, p4, sem):
    wid = lax.axis_index("s") * 2 + lax.axis_index("c")
    pltpu.sync_copy(dsth.at[wid], dst_v)
    pairs = ((x1h, p0, cx1h), (y1h, p1, cy1h), (x2h, p2, cx2h),
             (y2h, p3, cy2h), (sch, p4, csch))
    for src, pv, _ in pairs:
        pltpu.sync_copy(src.at[wid], pv)

    @pl.loop(0, rows)
    def _scatter(j):
        copies = [pltpu.async_copy(pv.at[j], dst.at[dst_v.at[j]], sem)
                  for _, pv, dst in pairs]
        for c in copies:
            c.wait()


def _compact(x1f, y1f, x2f, y2f, scf, dstf, bsz):
    mesh = plsc.VectorSubcoreMesh(core_axis_name="c", subcore_axis_name="s")
    cf = jax.ShapeDtypeStruct((bsz * _SLAB,), jnp.float32)
    rows = (bsz * _N) // (32 * 128)
    r3 = lambda a: a.reshape(32, rows, 128)
    sc_call = functools.partial(
        pl.kernel, mesh=mesh,
        out_type=[cf, cf, cf, cf, cf],
        scratch_types=[pltpu.VMEM((rows, 128), jnp.int32)]
                      + [pltpu.VMEM((rows, 128), jnp.float32)] * 5
                      + [pltpu.SemaphoreType.DMA],
    )(functools.partial(_stage_b_kernel, rows))
    return sc_call(r3(x1f), r3(y1f), r3(x2f), r3(y2f), r3(scf), r3(dstf))


def _stage_c_kernel(x1_ref, y1_ref, x2_ref, y2_ref, sc_ref, out_ref):
    b = pl.program_id(0)
    pos = lax.broadcasted_iota(jnp.int32, (_ROWS, _CCOLS), 0) * _CCOLS + \
          lax.broadcasted_iota(jnp.int32, (_ROWS, _CCOLS), 1)
    live = pos < _PRE_NMS
    x1 = x1_ref[0]
    y1 = y1_ref[0]
    x2 = x2_ref[0]
    y2 = y2_ref[0]
    ar = (x2 - x1 + 1.0) * (y2 - y1 + 1.0)
    ms0 = jnp.where(live, sc_ref[0], _NEG)

    si8 = lax.broadcasted_iota(jnp.int32, (_ROWS, 512), 0)
    li = lax.broadcasted_iota(jnp.int32, (_ROWS, 512), 1)
    out0 = jnp.where(si8 == 4, b.astype(jnp.float32), 0.0)

    def body(i, carry):
        ms, out = carry
        m = jnp.max(ms)
        valid = m != _NEG
        is_m = ms == m
        selpos = jnp.min(jnp.where(is_m, pos, jnp.int32(2147483647)))
        sel = is_m & (pos == selpos)
        x1s = jnp.sum(jnp.where(sel, x1, 0.0))
        y1s = jnp.sum(jnp.where(sel, y1, 0.0))
        x2s = jnp.sum(jnp.where(sel, x2, 0.0))
        y2s = jnp.sum(jnp.where(sel, y2, 0.0))
        ars = (x2s - x1s + 1.0) * (y2s - y1s + 1.0)
        xx1 = jnp.maximum(x1, x1s)
        yy1 = jnp.maximum(y1, y1s)
        xx2 = jnp.minimum(x2, x2s)
        yy2 = jnp.minimum(y2, y2s)
        w = jnp.maximum(xx2 - xx1 + 1.0, 0.0)
        h = jnp.maximum(yy2 - yy1 + 1.0, 0.0)
        inter = w * h
        sup = ((1.0 + _NMS_THRESH) * inter > _NMS_THRESH * (ars + ar)) & valid
        ms = jnp.where(sup, _NEG, ms)
        onehot = (li == i) & valid
        vals = jnp.where(si8 == 0, x1s,
               jnp.where(si8 == 1, y1s,
               jnp.where(si8 == 2, x2s, y2s)))
        out = out + jnp.where(onehot & (si8 < 4), vals, 0.0)
        return ms, out

    _, out = lax.fori_loop(0, _POST_NMS, body, (ms0, out0))
    out_ref[0] = out


def kernel(scores, bbox_deltas, image_width, image_height, is_training):
    bsz = scores.shape[0]
    na = 9
    sc = scores[:, na:, :, :].transpose(0, 2, 3, 1).reshape(bsz, _ROWS, _COLS)
    d = bbox_deltas.transpose(0, 2, 3, 1).reshape(bsz, _N, 4)
    dx = d[..., 0].reshape(bsz, _ROWS, _COLS)
    dy = d[..., 1].reshape(bsz, _ROWS, _COLS)
    dw = d[..., 2].reshape(bsz, _ROWS, _COLS)
    dh = d[..., 3].reshape(bsz, _ROWS, _COLS)
    bnd = jnp.stack([jnp.asarray(image_width, jnp.float32),
                     jnp.asarray(image_height, jnp.float32)]).reshape(1, 2)
    planes = [jnp.asarray(p) for p in _ANCHOR_PLANES]

    bspec = pl.BlockSpec((1, _ROWS, _COLS), lambda b: (b, 0, 0))
    cspec = pl.BlockSpec((_ROWS, _COLS), lambda b: (0, 0))
    fl = jax.ShapeDtypeStruct((bsz, _ROWS, _COLS), jnp.float32)
    x1f, y1f, x2f, y2f, dstf = pl.pallas_call(
        _stage_a_kernel,
        grid=(bsz,),
        in_specs=[bspec] * 5 + [cspec] * 4 + [pl.BlockSpec((1, 2), lambda b: (0, 0))],
        out_specs=[bspec] * 5,
        out_shape=[fl, fl, fl, fl,
                   jax.ShapeDtypeStruct((bsz, _ROWS, _COLS), jnp.int32)],
    )(sc, dx, dy, dw, dh, *planes, bnd)

    cx1, cy1, cx2, cy2, csc = _compact(
        x1f.reshape(-1), y1f.reshape(-1), x2f.reshape(-1), y2f.reshape(-1),
        sc.reshape(-1), dstf.reshape(-1), bsz)

    trim = lambda a: a.reshape(bsz, _SLAB)[:, :_CN].reshape(bsz, _ROWS, _CCOLS)
    cbspec = pl.BlockSpec((1, _ROWS, _CCOLS), lambda b: (b, 0, 0))
    out = pl.pallas_call(
        _stage_c_kernel,
        grid=(bsz,),
        in_specs=[cbspec] * 5,
        out_specs=pl.BlockSpec((1, _ROWS, 512), lambda b: (b, 0, 0)),
        out_shape=jax.ShapeDtypeStruct((bsz, _ROWS, 512), jnp.float32),
    )(trim(cx1), trim(cy1), trim(cx2), trim(cy2), trim(csc))

    coords = out[:, 0:4, :_POST_NMS]
    col0 = out[:, 4:5, :_POST_NMS]
    return jnp.concatenate([col0, coords], axis=1).transpose(0, 2, 1)

# --- scband reference (transcript-rebuilt; emitter-appended) ---
"""Pipeline reference for scband-proposal-layer-81071802679971 (READ-ONLY COPY).

The authoritative reference and input builder live on the scoring server;
editing this copy changes nothing except your own understanding.
"""

import jax, jax.numpy as jnp
import numpy as np

FEAT_STRIDE = 16
PRE_NMS = 6000
POST_NMS = 300
NMS_THRESH = 0.7


def _whctrs(anchor):
    w = anchor[2] - anchor[0] + 1.0
    h = anchor[3] - anchor[1] + 1.0
    return w, h, anchor[0] + 0.5 * (w - 1), anchor[1] + 0.5 * (h - 1)


def _mkanchors(ws, hs, x_ctr, y_ctr):
    ws = ws[:, None]
    hs = hs[:, None]
    return np.hstack((x_ctr - 0.5 * (ws - 1), y_ctr - 0.5 * (hs - 1),
                      x_ctr + 0.5 * (ws - 1), y_ctr + 0.5 * (hs - 1)))


def _ratio_enum(anchor, ratios):
    w, h, x_ctr, y_ctr = _whctrs(anchor)
    size = w * h
    ws = np.round(np.sqrt(size / ratios))
    hs = np.round(ws * ratios)
    return _mkanchors(ws, hs, x_ctr, y_ctr)


def _scale_enum(anchor, scales):
    w, h, x_ctr, y_ctr = _whctrs(anchor)
    return _mkanchors(w * scales, h * scales, x_ctr, y_ctr)


def generate_anchors(feature_stride=16, scales=None, ratios=None):
    base_anchor = np.array([1, 1, feature_stride, feature_stride], dtype=np.float64) - 1
    ratio_anchors = _ratio_enum(base_anchor, ratios)
    return np.vstack([_scale_enum(ratio_anchors[i, :], scales) for i in range(ratio_anchors.shape[0])])


ANCHORS = jnp.asarray(generate_anchors(16, np.array([8.0, 16.0, 32.0]), np.array([0.5, 1.0, 2.0])), dtype=jnp.float32)
NUM_ANCHORS = ANCHORS.shape[0]


def bbox_transform_inv(boxes, deltas):
    widths = boxes[..., 2] - boxes[..., 0] + 1.0
    heights = boxes[..., 3] - boxes[..., 1] + 1.0
    ctr_x = boxes[..., 0] + 0.5 * widths
    ctr_y = boxes[..., 1] + 0.5 * heights
    dx, dy, dw, dh = deltas[..., 0], deltas[..., 1], deltas[..., 2], deltas[..., 3]
    pred_ctr_x = dx * widths + ctr_x
    pred_ctr_y = dy * heights + ctr_y
    pred_w = jnp.exp(dw) * widths
    pred_h = jnp.exp(dh) * heights
    return jnp.stack([pred_ctr_x - 0.5 * pred_w, pred_ctr_y - 0.5 * pred_h,
                      pred_ctr_x + 0.5 * pred_w, pred_ctr_y + 0.5 * pred_h], axis=-1)


def clip_boxes(boxes, im_h, im_w):
    x1 = jnp.clip(boxes[..., 0], 0.0, im_w - 1.0)
    y1 = jnp.clip(boxes[..., 1], 0.0, im_h - 1.0)
    x2 = jnp.clip(boxes[..., 2], 0.0, im_w - 1.0)
    y2 = jnp.clip(boxes[..., 3], 0.0, im_h - 1.0)
    return jnp.stack([x1, y1, x2, y2], axis=-1)


def _nms_suppress(boxes, thresh):
    # boxes are sorted by descending score; returns suppression mask
    n = boxes.shape[0]
    x1, y1, x2, y2 = boxes[:, 0], boxes[:, 1], boxes[:, 2], boxes[:, 3]
    areas = (x2 - x1 + 1.0) * (y2 - y1 + 1.0)
    idx = jnp.arange(n)

    def body(i, sup):
        xx1 = jnp.maximum(x1[i], x1)
        yy1 = jnp.maximum(y1[i], y1)
        xx2 = jnp.minimum(x2[i], x2)
        yy2 = jnp.minimum(y2[i], y2)
        w = jnp.maximum(0.0, xx2 - xx1 + 1.0)
        h = jnp.maximum(0.0, yy2 - yy1 + 1.0)
        inter = w * h
        iou = inter / (areas[i] + areas - inter)
        new = sup | ((iou > thresh) & (idx > i))
        return jnp.where(sup[i], sup, new)

    return jax.lax.fori_loop(0, n, body, jnp.zeros((n,), dtype=bool))


def _proposal_single(props, sc, batch_idx):
    _, order = jax.lax.top_k(sc, PRE_NMS)
    p = props[order]
    sup = _nms_suppress(jax.lax.stop_gradient(p), NMS_THRESH)
    valid = jnp.logical_not(sup)
    rank = jnp.cumsum(valid.astype(jnp.int32)) - 1
    tgt = jnp.where(valid & (rank < POST_NMS), rank, POST_NMS)
    out_boxes = jnp.zeros((POST_NMS + 1, 4), dtype=p.dtype).at[tgt].set(p)[:POST_NMS]
    col0 = jnp.full((POST_NMS, 1), batch_idx, dtype=p.dtype)
    return jnp.concatenate([col0, out_boxes], axis=1)


def _forward(scores, bbox_deltas, image_width, image_height, is_training):
    sc = scores[:, NUM_ANCHORS:, :, :]
    b = bbox_deltas.shape[0]
    feat_h, feat_w = sc.shape[2], sc.shape[3]
    shift_x = jnp.arange(feat_w, dtype=jnp.float32) * FEAT_STRIDE
    shift_y = jnp.arange(feat_h, dtype=jnp.float32) * FEAT_STRIDE
    sx, sy = jnp.meshgrid(shift_x, shift_y)
    shifts = jnp.stack([sx.ravel(), sy.ravel(), sx.ravel(), sy.ravel()], axis=1)
    anchors = (ANCHORS[None, :, :] + shifts[:, None, :]).reshape(-1, 4)
    deltas = bbox_deltas.transpose(0, 2, 3, 1).reshape(b, -1, 4)
    scf = sc.transpose(0, 2, 3, 1).reshape(b, -1)
    props = bbox_transform_inv(anchors[None, :, :], deltas)
    props = clip_boxes(props, jnp.asarray(image_height, dtype=jnp.float32), jnp.asarray(image_width, dtype=jnp.float32))
    outs = [_proposal_single(props[i], scf[i], float(i)) for i in range(b)]
    return jnp.stack(outs, axis=0)


def setup_inputs(seed: int = 0):
    key = jax.random.key(seed)
    k1, k2 = jax.random.split(key)
    scores = jax.random.normal(k1, (2, 2 * NUM_ANCHORS, 64, 64), dtype=jnp.float32)
    bbox_deltas = jax.random.normal(k2, (2, 4 * NUM_ANCHORS, 64, 64), dtype=jnp.float32)
    return {"scores": scores, "bbox_deltas": bbox_deltas, "image_width": 1024, "image_height": 1024, "is_training": 0}


def reference(scores, bbox_deltas, image_width, image_height, is_training):
    return _forward(scores, bbox_deltas, image_width, image_height, is_training)

if __name__ == "__main__":
    import jax
    _d = setup_inputs()
    print(jax.jit(kernel)(*tuple(_d.values())))

</pallas_src>

<mosaic_0001>
#map = affine_map<(d0, d1) -> (0, 0, 0)>
#map1 = affine_map<(d0, d1) -> (0)>
module attributes {stable_mosaic.version = 14 : i64} {
  func.func @_stage_b_kernel(%arg0: i32, %arg1: i32, %arg2: memref<32x18x128xf32, #tpu.memory_space<hbm>>, %arg3: memref<32x18x128xf32, #tpu.memory_space<hbm>>, %arg4: memref<32x18x128xf32, #tpu.memory_space<hbm>>, %arg5: memref<32x18x128xf32, #tpu.memory_space<hbm>>, %arg6: memref<32x18x128xf32, #tpu.memory_space<hbm>>, %arg7: memref<32x18x128xi32, #tpu.memory_space<hbm>>, %arg8: memref<86016xf32, #tpu.memory_space<hbm>>, %arg9: memref<86016xf32, #tpu.memory_space<hbm>>, %arg10: memref<86016xf32, #tpu.memory_space<hbm>>, %arg11: memref<86016xf32, #tpu.memory_space<hbm>>, %arg12: memref<86016xf32, #tpu.memory_space<hbm>>, %arg13: memref<18x128xi32, #tpu.memory_space<vmem>>, %arg14: memref<18x128xf32, #tpu.memory_space<vmem>>, %arg15: memref<18x128xf32, #tpu.memory_space<vmem>>, %arg16: memref<18x128xf32, #tpu.memory_space<vmem>>, %arg17: memref<18x128xf32, #tpu.memory_space<vmem>>, %arg18: memref<18x128xf32, #tpu.memory_space<vmem>>, %arg19: memref<!tpu.dma_semaphore, #tpu.memory_space<semaphore_mem>>) attributes {dimension_semantics = [#tpu.dimension_semantics<core_parallel>, #tpu.dimension_semantics<subcore_parallel>], iteration_bounds = array<i64: 2, 16>, scalar_prefetch = 0 : i64, scratch_operands = 7 : i64, tpu.core_type = #tpu.core_type<sc_vector_subcore>, window_params = [{transform_indices = #map}, {transform_indices = #map}, {transform_indices = #map}, {transform_indices = #map}, {transform_indices = #map}, {transform_indices = #map}, {transform_indices = #map1}, {transform_indices = #map1}, {transform_indices = #map1}, {transform_indices = #map1}, {transform_indices = #map1}]} {
    %mul3A = arith.constant 2 : i32
    %mul3A_0 = arith.muli %arg1, %mul3A : i32
    %add3A = arith.addi %mul3A_0, %arg0 : i32
    "tpu.region"() ({
      %run_scoped3A = tpu.sem_alloc : memref<!tpu.dma_semaphore, #tpu.memory_space<semaphore_mem>>
      %dma_start3A = arith.constant 0 : i32
      %dma_start3A_5 = arith.constant 0 : i32
      %dma_start3A_6 = tpu.memref_slice %arg7[%add3A, %dma_start3A, %dma_start3A_5] : memref<32x18x128xi32, #tpu.memory_space<hbm>> -> memref<1x18x128xi32, #tpu.memory_space<hbm>>
      %dma_start3A_7 = tpu.memref_squeeze %dma_start3A_6 : memref<1x18x128xi32, #tpu.memory_space<hbm>> -> memref<18x128xi32, #tpu.memory_space<hbm>>
      %dma_start3A_8 = arith.constant 0 : i32
      %dma_start3A_9 = arith.constant 0 : i32
      %dma_start3A_10 = tpu.memref_slice %arg7[%add3A, %dma_start3A_8, %dma_start3A_9] : memref<32x18x128xi32, #tpu.memory_space<hbm>> -> memref<1x18x128xi32, #tpu.memory_space<hbm>>
      %dma_start3A_11 = tpu.memref_squeeze %dma_start3A_10 : memref<1x18x128xi32, #tpu.memory_space<hbm>> -> memref<18x128xi32, #tpu.memory_space<hbm>>
      tpu.enqueue_dma source(%dma_start3A_11 : memref<18x128xi32, #tpu.memory_space<hbm>>) target(%arg13 : memref<18x128xi32, #tpu.memory_space<vmem>>) target_semaphore(%run_scoped3A : memref<!tpu.dma_semaphore, #tpu.memory_space<semaphore_mem>>)
      %dma_wait3A = arith.constant 0 : i32
      %dma_wait3A_12 = arith.constant 0 : i32
      %dma_wait3A_13 = tpu.memref_slice %arg7[%add3A, %dma_wait3A, %dma_wait3A_12] : memref<32x18x128xi32, #tpu.memory_space<hbm>> -> memref<1x18x128xi32, #tpu.memory_space<hbm>>
      %dma_wait3A_14 = tpu.memref_squeeze %dma_wait3A_13 : memref<1x18x128xi32, #tpu.memory_space<hbm>> -> memref<18x128xi32, #tpu.memory_space<hbm>>
      %dma_wait3A_15 = arith.constant 0 : i32
      %dma_wait3A_16 = arith.constant 0 : i32
      %dma_wait3A_17 = tpu.memref_slice %arg7[%add3A, %dma_wait3A_15, %dma_wait3A_16] : memref<32x18x128xi32, #tpu.memory_space<hbm>> -> memref<1x18x128xi32, #tpu.memory_space<hbm>>
      %dma_wait3A_18 = tpu.memref_squeeze %dma_wait3A_17 : memref<1x18x128xi32, #tpu.memory_space<hbm>> -> memref<18x128xi32, #tpu.memory_space<hbm>>
      tpu.wait_dma2 semaphore(%run_scoped3A : memref<!tpu.dma_semaphore, #tpu.memory_space<semaphore_mem>>) src(%dma_wait3A_18 : memref<18x128xi32, #tpu.memory_space<hbm>>) dst(%arg13 : memref<18x128xi32, #tpu.memory_space<vmem>>)
      tpu.yield
    }) : () -> ()
    "tpu.region"() ({
      %run_scoped3A = tpu.sem_alloc : memref<!tpu.dma_semaphore, #tpu.memory_space<semaphore_mem>>
      %dma_start3A = arith.constant 0 : i32
      %dma_start3A_5 = arith.constant 0 : i32
      %dma_start3A_6 = tpu.memref_slice %arg2[%add3A, %dma_start3A, %dma_start3A_5] : memref<32x18x128xf32, #tpu.memory_space<hbm>> -> memref<1x18x128xf32, #tpu.memory_space<hbm>>
      %dma_start3A_7 = tpu.memref_squeeze %dma_start3A_6 : memref<1x18x128xf32, #tpu.memory_space<hbm>> -> memref<18x128xf32, #tpu.memory_space<hbm>>
      %dma_start3A_8 = arith.constant 0 : i32
      %dma_start3A_9 = arith.constant 0 : i32
      %dma_start3A_10 = tpu.memref_slice %arg2[%add3A, %dma_start3A_8, %dma_start3A_9] : memref<32x18x128xf32, #tpu.memory_space<hbm>> -> memref<1x18x128xf32, #tpu.memory_space<hbm>>
      %dma_start3A_11 = tpu.memref_squeeze %dma_start3A_10 : memref<1x18x128xf32, #tpu.memory_space<hbm>> -> memref<18x128xf32, #tpu.memory_space<hbm>>
      tpu.enqueue_dma source(%dma_start3A_11 : memref<18x128xf32, #tpu.memory_space<hbm>>) target(%arg14 : memref<18x128xf32, #tpu.memory_space<vmem>>) target_semaphore(%run_scoped3A : memref<!tpu.dma_semaphore, #tpu.memory_space<semaphore_mem>>)
      %dma_wait3A = arith.constant 0 : i32
      %dma_wait3A_12 = arith.constant 0 : i32
      %dma_wait3A_13 = tpu.memref_slice %arg2[%add3A, %dma_wait3A, %dma_wait3A_12] : memref<32x18x128xf32, #tpu.memory_space<hbm>> -> memref<1x18x128xf32, #tpu.memory_space<hbm>>
      %dma_wait3A_14 = tpu.memref_squeeze %dma_wait3A_13 : memref<1x18x128xf32, #tpu.memory_space<hbm>> -> memref<18x128xf32, #tpu.memory_space<hbm>>
      %dma_wait3A_15 = arith.constant 0 : i32
      %dma_wait3A_16 = arith.constant 0 : i32
      %dma_wait3A_17 = tpu.memref_slice %arg2[%add3A, %dma_wait3A_15, %dma_wait3A_16] : memref<32x18x128xf32, #tpu.memory_space<hbm>> -> memref<1x18x128xf32, #tpu.memory_space<hbm>>
      %dma_wait3A_18 = tpu.memref_squeeze %dma_wait3A_17 : memref<1x18x128xf32, #tpu.memory_space<hbm>> -> memref<18x128xf32, #tpu.memory_space<hbm>>
      tpu.wait_dma2 semaphore(%run_scoped3A : memref<!tpu.dma_semaphore, #tpu.memory_space<semaphore_mem>>) src(%dma_wait3A_18 : memref<18x128xf32, #tpu.memory_space<hbm>>) dst(%arg14 : memref<18x128xf32, #tpu.memory_space<vmem>>)
      tpu.yield
    }) : () -> ()
    "tpu.region"() ({
      %run_scoped3A = tpu.sem_alloc : memref<!tpu.dma_semaphore, #tpu.memory_space<semaphore_mem>>
      %dma_start3A = arith.constant 0 : i32
      %dma_start3A_5 = arith.constant 0 : i32
      %dma_start3A_6 = tpu.memref_slice %arg3[%add3A, %dma_start3A, %dma_start3A_5] : memref<32x18x128xf32, #tpu.memory_space<hbm>> -> memref<1x18x128xf32, #tpu.memory_space<hbm>>
      %dma_start3A_7 = tpu.memref_squeeze %dma_start3A_6 : memref<1x18x128xf32, #tpu.memory_space<hbm>> -> memref<18x128xf32, #tpu.memory_space<hbm>>
      %dma_start3A_8 = arith.constant 0 : i32
      %dma_start3A_9 = arith.constant 0 : i32
      %dma_start3A_10 = tpu.memref_slice %arg3[%add3A, %dma_start3A_8, %dma_start3A_9] : memref<32x18x128xf32, #tpu.memory_space<hbm>> -> memref<1x18x128xf32, #tpu.memory_space<hbm>>
      %dma_start3A_11 = tpu.memref_squeeze %dma_start3A_10 : memref<1x18x128xf32, #tpu.memory_space<hbm>> -> memref<18x128xf32, #tpu.memory_space<hbm>>
      tpu.enqueue_dma source(%dma_start3A_11 : memref<18x128xf32, #tpu.memory_space<hbm>>) target(%arg15 : memref<18x128xf32, #tpu.memory_space<vmem>>) target_semaphore(%run_scoped3A : memref<!tpu.dma_semaphore, #tpu.memory_space<semaphore_mem>>)
      %dma_wait3A = arith.constant 0 : i32
      %dma_wait3A_12 = arith.constant 0 : i32
      %dma_wait3A_13 = tpu.memref_slice %arg3[%add3A, %dma_wait3A, %dma_wait3A_12] : memref<32x18x128xf32, #tpu.memory_space<hbm>> -> memref<1x18x128xf32, #tpu.memory_space<hbm>>
      %dma_wait3A_14 = tpu.memref_squeeze %dma_wait3A_13 : memref<1x18x128xf32, #tpu.memory_space<hbm>> -> memref<18x128xf32, #tpu.memory_space<hbm>>
      %dma_wait3A_15 = arith.constant 0 : i32
      %dma_wait3A_16 = arith.constant 0 : i32
      %dma_wait3A_17 = tpu.memref_slice %arg3[%add3A, %dma_wait3A_15, %dma_wait3A_16] : memref<32x18x128xf32, #tpu.memory_space<hbm>> -> memref<1x18x128xf32, #tpu.memory_space<hbm>>
      %dma_wait3A_18 = tpu.memref_squeeze %dma_wait3A_17 : memref<1x18x128xf32, #tpu.memory_space<hbm>> -> memref<18x128xf32, #tpu.memory_space<hbm>>
      tpu.wait_dma2 semaphore(%run_scoped3A : memref<!tpu.dma_semaphore, #tpu.memory_space<semaphore_mem>>) src(%dma_wait3A_18 : memref<18x128xf32, #tpu.memory_space<hbm>>) dst(%arg15 : memref<18x128xf32, #tpu.memory_space<vmem>>)
      tpu.yield
    }) : () -> ()
    "tpu.region"() ({
      %run_scoped3A = tpu.sem_alloc : memref<!tpu.dma_semaphore, #tpu.memory_space<semaphore_mem>>
      %dma_start3A = arith.constant 0 : i32
      %dma_start3A_5 = arith.constant 0 : i32
      %dma_start3A_6 = tpu.memref_slice %arg4[%add3A, %dma_start3A, %dma_start3A_5] : memref<32x18x128xf32, #tpu.memory_space<hbm>> -> memref<1x18x128xf32, #tpu.memory_space<hbm>>
      %dma_start3A_7 = tpu.memref_squeeze %dma_start3A_6 : memref<1x18x128xf32, #tpu.memory_space<hbm>> -> memref<18x128xf32, #tpu.memory_space<hbm>>
      %dma_start3A_8 = arith.constant 0 : i32
      %dma_start3A_9 = arith.constant 0 : i32
      %dma_start3A_10 = tpu.memref_slice %arg4[%add3A, %dma_start3A_8, %dma_start3A_9] : memref<32x18x128xf32, #tpu.memory_space<hbm>> -> memref<1x18x128xf32, #tpu.memory_space<hbm>>
      %dma_start3A_11 = tpu.memref_squeeze %dma_start3A_10 : memref<1x18x128xf32, #tpu.memory_space<hbm>> -> memref<18x128xf32, #tpu.memory_space<hbm>>
      tpu.enqueue_dma source(%dma_start3A_11 : memref<18x128xf32, #tpu.memory_space<hbm>>) target(%arg16 : memref<18x128xf32, #tpu.memory_space<vmem>>) target_semaphore(%run_scoped3A : memref<!tpu.dma_semaphore, #tpu.memory_space<semaphore_mem>>)
      %dma_wait3A = arith.constant 0 : i32
      %dma_wait3A_12 = arith.constant 0 : i32
      %dma_wait3A_13 = tpu.memref_slice %arg4[%add3A, %dma_wait3A, %dma_wait3A_12] : memref<32x18x128xf32, #tpu.memory_space<hbm>> -> memref<1x18x128xf32, #tpu.memory_space<hbm>>
      %dma_wait3A_14 = tpu.memref_squeeze %dma_wait3A_13 : memref<1x18x128xf32, #tpu.memory_space<hbm>> -> memref<18x128xf32, #tpu.memory_space<hbm>>
      %dma_wait3A_15 = arith.constant 0 : i32
      %dma_wait3A_16 = arith.constant 0 : i32
      %dma_wait3A_17 = tpu.memref_slice %arg4[%add3A, %dma_wait3A_15, %dma_wait3A_16] : memref<32x18x128xf32, #tpu.memory_space<hbm>> -> memref<1x18x128xf32, #tpu.memory_space<hbm>>
      %dma_wait3A_18 = tpu.memref_squeeze %dma_wait3A_17 : memref<1x18x128xf32, #tpu.memory_space<hbm>> -> memref<18x128xf32, #tpu.memory_space<hbm>>
      tpu.wait_dma2 semaphore(%run_scoped3A : memref<!tpu.dma_semaphore, #tpu.memory_space<semaphore_mem>>) src(%dma_wait3A_18 : memref<18x128xf32, #tpu.memory_space<hbm>>) dst(%arg16 : memref<18x128xf32, #tpu.memory_space<vmem>>)
      tpu.yield
    }) : () -> ()
    "tpu.region"() ({
      %run_scoped3A = tpu.sem_alloc : memref<!tpu.dma_semaphore, #tpu.memory_space<semaphore_mem>>
      %dma_start3A = arith.constant 0 : i32
      %dma_start3A_5 = arith.constant 0 : i32
      %dma_start3A_6 = tpu.memref_slice %arg5[%add3A, %dma_start3A, %dma_start3A_5] : memref<32x18x128xf32, #tpu.memory_space<hbm>> -> memref<1x18x128xf32, #tpu.memory_space<hbm>>
      %dma_start3A_7 = tpu.memref_squeeze %dma_start3A_6 : memref<1x18x128xf32, #tpu.memory_space<hbm>> -> memref<18x128xf32, #tpu.memory_space<hbm>>
      %dma_start3A_8 = arith.constant 0 : i32
      %dma_start3A_9 = arith.constant 0 : i32
      %dma_start3A_10 = tpu.memref_slice %arg5[%add3A, %dma_start3A_8, %dma_start3A_9] : memref<32x18x128xf32, #tpu.memory_space<hbm>> -> memref<1x18x128xf32, #tpu.memory_space<hbm>>
      %dma_start3A_11 = tpu.memref_squeeze %dma_start3A_10 : memref<1x18x128xf32, #tpu.memory_space<hbm>> -> memref<18x128xf32, #tpu.memory_space<hbm>>
      tpu.enqueue_dma source(%dma_start3A_11 : memref<18x128xf32, #tpu.memory_space<hbm>>) target(%arg17 : memref<18x128xf32, #tpu.memory_space<vmem>>) target_semaphore(%run_scoped3A : memref<!tpu.dma_semaphore, #tpu.memory_space<semaphore_mem>>)
      %dma_wait3A = arith.constant 0 : i32
      %dma_wait3A_12 = arith.constant 0 : i32
      %dma_wait3A_13 = tpu.memref_slice %arg5[%add3A, %dma_wait3A, %dma_wait3A_12] : memref<32x18x128xf32, #tpu.memory_space<hbm>> -> memref<1x18x128xf32, #tpu.memory_space<hbm>>
      %dma_wait3A_14 = tpu.memref_squeeze %dma_wait3A_13 : memref<1x18x128xf32, #tpu.memory_space<hbm>> -> memref<18x128xf32, #tpu.memory_space<hbm>>
      %dma_wait3A_15 = arith.constant 0 : i32
      %dma_wait3A_16 = arith.constant 0 : i32
      %dma_wait3A_17 = tpu.memref_slice %arg5[%add3A, %dma_wait3A_15, %dma_wait3A_16] : memref<32x18x128xf32, #tpu.memory_space<hbm>> -> memref<1x18x128xf32, #tpu.memory_space<hbm>>
      %dma_wait3A_18 = tpu.memref_squeeze %dma_wait3A_17 : memref<1x18x128xf32, #tpu.memory_space<hbm>> -> memref<18x128xf32, #tpu.memory_space<hbm>>
      tpu.wait_dma2 semaphore(%run_scoped3A : memref<!tpu.dma_semaphore, #tpu.memory_space<semaphore_mem>>) src(%dma_wait3A_18 : memref<18x128xf32, #tpu.memory_space<hbm>>) dst(%arg17 : memref<18x128xf32, #tpu.memory_space<vmem>>)
      tpu.yield
    }) : () -> ()
    "tpu.region"() ({
      %run_scoped3A = tpu.sem_alloc : memref<!tpu.dma_semaphore, #tpu.memory_space<semaphore_mem>>
      %dma_start3A = arith.constant 0 : i32
      %dma_start3A_5 = arith.constant 0 : i32
      %dma_start3A_6 = tpu.memref_slice %arg6[%add3A, %dma_start3A, %dma_start3A_5] : memref<32x18x128xf32, #tpu.memory_space<hbm>> -> memref<1x18x128xf32, #tpu.memory_space<hbm>>
      %dma_start3A_7 = tpu.memref_squeeze %dma_start3A_6 : memref<1x18x128xf32, #tpu.memory_space<hbm>> -> memref<18x128xf32, #tpu.memory_space<hbm>>
      %dma_start3A_8 = arith.constant 0 : i32
      %dma_start3A_9 = arith.constant 0 : i32
      %dma_start3A_10 = tpu.memref_slice %arg6[%add3A, %dma_start3A_8, %dma_start3A_9] : memref<32x18x128xf32, #tpu.memory_space<hbm>> -> memref<1x18x128xf32, #tpu.memory_space<hbm>>
      %dma_start3A_11 = tpu.memref_squeeze %dma_start3A_10 : memref<1x18x128xf32, #tpu.memory_space<hbm>> -> memref<18x128xf32, #tpu.memory_space<hbm>>
      tpu.enqueue_dma source(%dma_start3A_11 : memref<18x128xf32, #tpu.memory_space<hbm>>) target(%arg18 : memref<18x128xf32, #tpu.memory_space<vmem>>) target_semaphore(%run_scoped3A : memref<!tpu.dma_semaphore, #tpu.memory_space<semaphore_mem>>)
      %dma_wait3A = arith.constant 0 : i32
      %dma_wait3A_12 = arith.constant 0 : i32
      %dma_wait3A_13 = tpu.memref_slice %arg6[%add3A, %dma_wait3A, %dma_wait3A_12] : memref<32x18x128xf32, #tpu.memory_space<hbm>> -> memref<1x18x128xf32, #tpu.memory_space<hbm>>
      %dma_wait3A_14 = tpu.memref_squeeze %dma_wait3A_13 : memref<1x18x128xf32, #tpu.memory_space<hbm>> -> memref<18x128xf32, #tpu.memory_space<hbm>>
      %dma_wait3A_15 = arith.constant 0 : i32
      %dma_wait3A_16 = arith.constant 0 : i32
      %dma_wait3A_17 = tpu.memref_slice %arg6[%add3A, %dma_wait3A_15, %dma_wait3A_16] : memref<32x18x128xf32, #tpu.memory_space<hbm>> -> memref<1x18x128xf32, #tpu.memory_space<hbm>>
      %dma_wait3A_18 = tpu.memref_squeeze %dma_wait3A_17 : memref<1x18x128xf32, #tpu.memory_space<hbm>> -> memref<18x128xf32, #tpu.memory_space<hbm>>
      tpu.wait_dma2 semaphore(%run_scoped3A : memref<!tpu.dma_semaphore, #tpu.memory_space<semaphore_mem>>) src(%dma_wait3A_18 : memref<18x128xf32, #tpu.memory_space<hbm>>) dst(%arg18 : memref<18x128xf32, #tpu.memory_space<vmem>>)
      tpu.yield
    }) : () -> ()
    %scan3A = arith.constant 0 : i32
    %scan3A_1 = arith.constant 18 : i32
    %scan3A_2 = arith.addi %scan3A, %scan3A_1 : i32
    %scan3A_3 = arith.constant 1 : i32
    scf.for %scan3A_5 = %scan3A to %scan3A_2 step %scan3A_3  : i32 {
      %mul3A_6 = arith.constant 1 : i32
      %mul3A_7 = arith.muli %scan3A_5, %mul3A_6 : i32
      %add3A_8 = arith.constant 0 : i32
      %add3A_9 = arith.addi %add3A_8, %mul3A_7 : i32
      %dma_start3A = arith.constant 0 : i32
      %dma_start3A_10 = tpu.memref_slice %arg14[%add3A_9, %dma_start3A] : memref<18x128xf32, #tpu.memory_space<vmem>> -> memref<1x128xf32, #tpu.memory_space<vmem>>
      %dma_start3A_11 = tpu.memref_squeeze %dma_start3A_10 : memref<1x128xf32, #tpu.memory_space<vmem>> -> memref<128xf32, #tpu.memory_space<vmem>>
      %dma_start3A_12 = arith.constant 0 : i32
      %dma_start3A_13 = tpu.memref_slice %arg13[%add3A_9, %dma_start3A_12] : memref<18x128xi32, #tpu.memory_space<vmem>> -> memref<1x128xi32, #tpu.memory_space<vmem>>
      %dma_start3A_14 = tpu.memref_squeeze %dma_start3A_13 : memref<1x128xi32, #tpu.memory_space<vmem>> -> memref<128xi32, #tpu.memory_space<vmem>>
      %dma_start3A_15 = arith.constant 0 : i32
      %dma_start3A_16 = tpu.memref_slice %arg8[%dma_start3A_15] : memref<86016xf32, #tpu.memory_space<hbm>> -> memref<86016xf32, #tpu.memory_space<hbm>>
      tpu.enqueue_indirect_dma source(%dma_start3A_11 : memref<128xf32, #tpu.memory_space<vmem>>) target(%dma_start3A_16 : memref<86016xf32, #tpu.memory_space<hbm>>) offsets(%dma_start3A_14 : memref<128xi32, #tpu.memory_space<vmem>>) semaphore(%arg19 : memref<!tpu.dma_semaphore, #tpu.memory_space<semaphore_mem>>)
      %dma_start3A_17 = arith.constant 0 : i32
      %dma_start3A_18 = tpu.memref_slice %arg15[%add3A_9, %dma_start3A_17] : memref<18x128xf32, #tpu.memory_space<vmem>> -> memref<1x128xf32, #tpu.memory_space<vmem>>
      %dma_start3A_19 = tpu.memref_squeeze %dma_start3A_18 : memref<1x128xf32, #tpu.memory_space<vmem>> -> memref<128xf32, #tpu.memory_space<vmem>>
      %dma_start3A_20 = arith.constant 0 : i32
      %dma_start3A_21 = tpu.memref_slice %arg13[%add3A_9, %dma_start3A_20] : memref<18x128xi32, #tpu.memory_space<vmem>> -> memref<1x128xi32, #tpu.memory_space<vmem>>
      %dma_start3A_22 = tpu.memref_squeeze %dma_start3A_21 : memref<1x128xi32, #tpu.memory_space<vmem>> -> memref<128xi32, #tpu.memory_space<vmem>>
      %dma_start3A_23 = arith.constant 0 : i32
      %dma_start3A_24 = tpu.memref_slice %arg9[%dma_start3A_23] : memref<86016xf32, #tpu.memory_space<hbm>> -> memref<86016xf32, #tpu.memory_space<hbm>>
      tpu.enqueue_indirect_dma source(%dma_start3A_19 : memref<128xf32, #tpu.memory_space<vmem>>) target(%dma_start3A_24 : memref<86016xf32, #tpu.memory_space<hbm>>) offsets(%dma_start3A_22 : memref<128xi32, #tpu.memory_space<vmem>>) semaphore(%arg19 : memref<!tpu.dma_semaphore, #tpu.memory_space<semaphore_mem>>)
      %dma_start3A_25 = arith.constant 0 : i32
      %dma_start3A_26 = tpu.memref_slice %arg16[%add3A_9, %dma_start3A_25] : memref<18x128xf32, #tpu.memory_space<vmem>> -> memref<1x128xf32, #tpu.memory_space<vmem>>
      %dma_start3A_27 = tpu.memref_squeeze %dma_start3A_26 : memref<1x128xf32, #tpu.memory_space<vmem>> -> memref<128xf32, #tpu.memory_space<vmem>>
      %dma_start3A_28 = arith.constant 0 : i32
      %dma_start3A_29 = tpu.memref_slice %arg13[%add3A_9, %dma_start3A_28] : memref<18x128xi32, #tpu.memory_space<vmem>> -> memref<1x128xi32, #tpu.memory_space<vmem>>
      %dma_start3A_30 = tpu.memref_squeeze %dma_start3A_29 : memref<1x128xi32, #tpu.memory_space<vmem>> -> memref<128xi32, #tpu.memory_space<vmem>>
      %dma_start3A_31 = arith.constant 0 : i32
      %dma_start3A_32 = tpu.memref_slice %arg10[%dma_start3A_31] : memref<86016xf32, #tpu.memory_space<hbm>> -> memref<86016xf32, #tpu.memory_space<hbm>>
      tpu.enqueue_indirect_dma source(%dma_start3A_27 : memref<128xf32, #tpu.memory_space<vmem>>) target(%dma_start3A_32 : memref<86016xf32, #tpu.memory_space<hbm>>) offsets(%dma_start3A_30 : memref<128xi32, #tpu.memory_space<vmem>>) semaphore(%arg19 : memref<!tpu.dma_semaphore, #tpu.memory_space<semaphore_mem>>)
      %dma_start3A_33 = arith.constant 0 : i32
      %dma_start3A_34 = tpu.memref_slice %arg17[%add3A_9, %dma_start3A_33] : memref<18x128xf32, #tpu.memory_space<vmem>> -> memref<1x128xf32, #tpu.memory_space<vmem>>
      %dma_start3A_35 = tpu.memref_squeeze %dma_start3A_34 : memref<1x128xf32, #tpu.memory_space<vmem>> -> memref<128xf32, #tpu.memory_space<vmem>>
      %dma_start3A_36 = arith.constant 0 : i32
      %dma_start3A_37 = tpu.memref_slice %arg13[%add3A_9, %dma_start3A_36] : memref<18x128xi32, #tpu.memory_space<vmem>> -> memref<1x128xi32, #tpu.memory_space<vmem>>
      %dma_start3A_38 = tpu.memref_squeeze %dma_start3A_37 : memref<1x128xi32, #tpu.memory_space<vmem>> -> memref<128xi32, #tpu.memory_space<vmem>>
      %dma_start3A_39 = arith.constant 0 : i32
      %dma_start3A_40 = tpu.memref_slice %arg11[%dma_start3A_39] : memref<86016xf32, #tpu.memory_space<hbm>> -> memref<86016xf32, #tpu.memory_space<hbm>>
      tpu.enqueue_indirect_dma source(%dma_start3A_35 : memref<128xf32, #tpu.memory_space<vmem>>) target(%dma_start3A_40 : memref<86016xf32, #tpu.memory_space<hbm>>) offsets(%dma_start3A_38 : memref<128xi32, #tpu.memory_space<vmem>>) semaphore(%arg19 : memref<!tpu.dma_semaphore, #tpu.memory_space<semaphore_mem>>)
      %dma_start3A_41 = arith.constant 0 : i32
      %dma_start3A_42 = tpu.memref_slice %arg18[%add3A_9, %dma_start3A_41] : memref<18x128xf32, #tpu.memory_space<vmem>> -> memref<1x128xf32, #tpu.memory_space<vmem>>
      %dma_start3A_43 = tpu.memref_squeeze %dma_start3A_42 : memref<1x128xf32, #tpu.memory_space<vmem>> -> memref<128xf32, #tpu.memory_space<vmem>>
      %dma_start3A_44 = arith.constant 0 : i32
      %dma_start3A_45 = tpu.memref_slice %arg13[%add3A_9, %dma_start3A_44] : memref<18x128xi32, #tpu.memory_space<vmem>> -> memref<1x128xi32, #tpu.memory_space<vmem>>
      %dma_start3A_46 = tpu.memref_squeeze %dma_start3A_45 : memref<1x128xi32, #tpu.memory_space<vmem>> -> memref<128xi32, #tpu.memory_space<vmem>>
      %dma_start3A_47 = arith.constant 0 : i32
      %dma_start3A_48 = tpu.memref_slice %arg12[%dma_start3A_47] : memref<86016xf32, #tpu.memory_space<hbm>> -> memref<86016xf32, #tpu.memory_space<hbm>>
      tpu.enqueue_indirect_dma source(%dma_start3A_43 : memref<128xf32, #tpu.memory_space<vmem>>) target(%dma_start3A_48 : memref<86016xf32, #tpu.memory_space<hbm>>) offsets(%dma_start3A_46 : memref<128xi32, #tpu.memory_space<vmem>>) semaphore(%arg19 : memref<!tpu.dma_semaphore, #tpu.memory_space<semaphore_mem>>)
      %dma_wait3A = arith.constant 0 : i32
      %dma_wait3A_49 = tpu.memref_slice %arg14[%add3A_9, %dma_wait3A] : memref<18x128xf32, #tpu.memory_space<vmem>> -> memref<1x128xf32, #tpu.memory_space<vmem>>
      %dma_wait3A_50 = tpu.memref_squeeze %dma_wait3A_49 : memref<1x128xf32, #tpu.memory_space<vmem>> -> memref<128xf32, #tpu.memory_space<vmem>>
      %dma_wait3A_51 = arith.constant 0 : i32
      %dma_wait3A_52 = tpu.memref_slice %arg13[%add3A_9, %dma_wait3A_51] : memref<18x128xi32, #tpu.memory_space<vmem>> -> memref<1x128xi32, #tpu.memory_space<vmem>>
      %dma_wait3A_53 = tpu.memref_squeeze %dma_wait3A_52 : memref<1x128xi32, #tpu.memory_space<vmem>> -> memref<128xi32, #tpu.memory_space<vmem>>
      %dma_wait3A_54 = arith.constant 0 : i32
      %dma_wait3A_55 = tpu.memref_slice %arg8[%dma_wait3A_54] : memref<86016xf32, #tpu.memory_space<hbm>> -> memref<86016xf32, #tpu.memory_space<hbm>>
      tpu.wait_indirect_dma semaphore(%arg19 : memref<!tpu.dma_semaphore, #tpu.memory_space<semaphore_mem>>) src(%dma_wait3A_50 : memref<128xf32, #tpu.memory_space<vmem>>) dst(%dma_wait3A_55 : memref<86016xf32, #tpu.memory_space<hbm>>)
      %dma_wait3A_56 = arith.constant 0 : i32
      %dma_wait3A_57 = tpu.memref_slice %arg15[%add3A_9, %dma_wait3A_56] : memref<18x128xf32, #tpu.memory_space<vmem>> -> memref<1x128xf32, #tpu.memory_space<vmem>>
      %dma_wait3A_58 = tpu.memref_squeeze %dma_wait3A_57 : memref<1x128xf32, #tpu.memory_space<vmem>> -> memref<128xf32, #tpu.memory_space<vmem>>
      %dma_wait3A_59 = arith.constant 0 : i32
      %dma_wait3A_60 = tpu.memref_slice %arg13[%add3A_9, %dma_wait3A_59] : memref<18x128xi32, #tpu.memory_space<vmem>> -> memref<1x128xi32, #tpu.memory_space<vmem>>
      %dma_wait3A_61 = tpu.memref_squeeze %dma_wait3A_60 : memref<1x128xi32, #tpu.memory_space<vmem>> -> memref<128xi32, #tpu.memory_space<vmem>>
      %dma_wait3A_62 = arith.constant 0 : i32
      %dma_wait3A_63 = tpu.memref_slice %arg9[%dma_wait3A_62] : memref<86016xf32, #tpu.memory_space<hbm>> -> memref<86016xf32, #tpu.memory_space<hbm>>
      tpu.wait_indirect_dma semaphore(%arg19 : memref<!tpu.dma_semaphore, #tpu.memory_space<semaphore_mem>>) src(%dma_wait3A_58 : memref<128xf32, #tpu.memory_space<vmem>>) dst(%dma_wait3A_63 : memref<86016xf32, #tpu.memory_space<hbm>>)
      %dma_wait3A_64 = arith.constant 0 : i32
      %dma_wait3A_65 = tpu.memref_slice %arg16[%add3A_9, %dma_wait3A_64] : memref<18x128xf32, #tpu.memory_space<vmem>> -> memref<1x128xf32, #tpu.memory_space<vmem>>
      %dma_wait3A_66 = tpu.memref_squeeze %dma_wait3A_65 : memref<1x128xf32, #tpu.memory_space<vmem>> -> memref<128xf32, #tpu.memory_space<vmem>>
      %dma_wait3A_67 = arith.constant 0 : i32
      %dma_wait3A_68 = tpu.memref_slice %arg13[%add3A_9, %dma_wait3A_67] : memref<18x128xi32, #tpu.memory_space<vmem>> -> memref<1x128xi32, #tpu.memory_space<vmem>>
      %dma_wait3A_69 = tpu.memref_squeeze %dma_wait3A_68 : memref<1x128xi32, #tpu.memory_space<vmem>> -> memref<128xi32, #tpu.memory_space<vmem>>
      %dma_wait3A_70 = arith.constant 0 : i32
      %dma_wait3A_71 = tpu.memref_slice %arg10[%dma_wait3A_70] : memref<86016xf32, #tpu.memory_space<hbm>> -> memref<86016xf32, #tpu.memory_space<hbm>>
      tpu.wait_indirect_dma semaphore(%arg19 : memref<!tpu.dma_semaphore, #tpu.memory_space<semaphore_mem>>) src(%dma_wait3A_66 : memref<128xf32, #tpu.memory_space<vmem>>) dst(%dma_wait3A_71 : memref<86016xf32, #tpu.memory_space<hbm>>)
      %dma_wait3A_72 = arith.constant 0 : i32
      %dma_wait3A_73 = tpu.memref_slice %arg17[%add3A_9, %dma_wait3A_72] : memref<18x128xf32, #tpu.memory_space<vmem>> -> memref<1x128xf32, #tpu.memory_space<vmem>>
      %dma_wait3A_74 = tpu.memref_squeeze %dma_wait3A_73 : memref<1x128xf32, #tpu.memory_space<vmem>> -> memref<128xf32, #tpu.memory_space<vmem>>
      %dma_wait3A_75 = arith.constant 0 : i32
      %dma_wait3A_76 = tpu.memref_slice %arg13[%add3A_9, %dma_wait3A_75] : memref<18x128xi32, #tpu.memory_space<vmem>> -> memref<1x128xi32, #tpu.memory_space<vmem>>
      %dma_wait3A_77 = tpu.memref_squeeze %dma_wait3A_76 : memref<1x128xi32, #tpu.memory_space<vmem>> -> memref<128xi32, #tpu.memory_space<vmem>>
      %dma_wait3A_78 = arith.constant 0 : i32
      %dma_wait3A_79 = tpu.memref_slice %arg11[%dma_wait3A_78] : memref<86016xf32, #tpu.memory_space<hbm>> -> memref<86016xf32, #tpu.memory_space<hbm>>
      tpu.wait_indirect_dma semaphore(%arg19 : memref<!tpu.dma_semaphore, #tpu.memory_space<semaphore_mem>>) src(%dma_wait3A_74 : memref<128xf32, #tpu.memory_space<vmem>>) dst(%dma_wait3A_79 : memref<86016xf32, #tpu.memory_space<hbm>>)
      %dma_wait3A_80 = arith.constant 0 : i32
      %dma_wait3A_81 = tpu.memref_slice %arg18[%add3A_9, %dma_wait3A_80] : memref<18x128xf32, #tpu.memory_space<vmem>> -> memref<1x128xf32, #tpu.memory_space<vmem>>
      %dma_wait3A_82 = tpu.memref_squeeze %dma_wait3A_81 : memref<1x128xf32, #tpu.memory_space<vmem>> -> memref<128xf32, #tpu.memory_space<vmem>>
      %dma_wait3A_83 = arith.constant 0 : i32
      %dma_wait3A_84 = tpu.memref_slice %arg13[%add3A_9, %dma_wait3A_83] : memref<18x128xi32, #tpu.memory_space<vmem>> -> memref<1x128xi32, #tpu.memory_space<vmem>>
      %dma_wait3A_85 = tpu.memref_squeeze %dma_wait3A_84 : memref<1x128xi32, #tpu.memory_space<vmem>> -> memref<128xi32, #tpu.memory_space<vmem>>
      %dma_wait3A_86 = arith.constant 0 : i32
      %dma_wait3A_87 = tpu.memref_slice %arg12[%dma_wait3A_86] : memref<86016xf32, #tpu.memory_space<hbm>> -> memref<86016xf32, #tpu.memory_space<hbm>>
      tpu.wait_indirect_dma semaphore(%arg19 : memref<!tpu.dma_semaphore, #tpu.memory_space<semaphore_mem>>) src(%dma_wait3A_82 : memref<128xf32, #tpu.memory_space<vmem>>) dst(%dma_wait3A_87 : memref<86016xf32, #tpu.memory_space<hbm>>)
    }
    %scan3A_4 = arith.constant 18 : i32
    return
  }
}

module attributes {stable_mosaic.version = 14 : i64} {
  func.func @_stage_a_kernel(%arg0: i32, %arg1: memref<1x8x4608xf32, #tpu.memory_space<vmem>>, %arg2: memref<1x8x4608xf32, #tpu.memory_space<vmem>>, %arg3: memref<1x8x4608xf32, #tpu.memory_space<vmem>>, %arg4: memref<1x8x4608xf32, #tpu.memory_space<vmem>>, %arg5: memref<1x8x4608xf32, #tpu.memory_space<vmem>>, %arg6: memref<8x4608xf32, #tpu.memory_space<vmem>>, %arg7: memref<8x4608xf32, #tpu.memory_space<vmem>>, %arg8: memref<8x4608xf32, #tpu.memory_space<vmem>>, %arg9: memref<8x4608xf32, #tpu.memory_space<vmem>>, %arg10: memref<1x2xf32, #tpu.memory_space<vmem>>, %arg11: memref<1x8x4608xf32, #tpu.memory_space<vmem>>, %arg12: memref<1x8x4608xf32, #tpu.memory_space<vmem>>, %arg13: memref<1x8x4608xf32, #tpu.memory_space<vmem>>, %arg14: memref<1x8x4608xf32, #tpu.memory_space<vmem>>, %arg15: memref<1x8x4608xi32, #tpu.memory_space<vmem>>) attributes {dimension_semantics = [#tpu.dimension_semantics<arbitrary>], iteration_bounds = array<i64: 2>, scalar_prefetch = 0 : i64, scratch_operands = 0 : i64, tpu.core_type = #tpu.core_type<tc>, window_params = [{transform_indices = @transform_0, window_bounds = array<i64: 1, 8, 4608>}, {transform_indices = @transform_1, window_bounds = array<i64: 1, 8, 4608>}, {transform_indices = @transform_2, window_bounds = array<i64: 1, 8, 4608>}, {transform_indices = @transform_3, window_bounds = array<i64: 1, 8, 4608>}, {transform_indices = @transform_4, window_bounds = array<i64: 1, 8, 4608>}, {pipeline_mode = #tpu.pipeline_mode<synchronous>, transform_indices = @transform_5, window_bounds = array<i64: 8, 4608>}, {pipeline_mode = #tpu.pipeline_mode<synchronous>, transform_indices = @transform_6, window_bounds = array<i64: 8, 4608>}, {pipeline_mode = #tpu.pipeline_mode<synchronous>, transform_indices = @transform_7, window_bounds = array<i64: 8, 4608>}, {pipeline_mode = #tpu.pipeline_mode<synchronous>, transform_indices = @transform_8, window_bounds = array<i64: 8, 4608>}, {pipeline_mode = #tpu.pipeline_mode<synchronous>, transform_indices = @transform_9, window_bounds = array<i64: 1, 2>}, {transform_indices = @transform_10, window_bounds = array<i64: 1, 8, 4608>}, {transform_indices = @transform_11, window_bounds = array<i64: 1, 8, 4608>}, {transform_indices = @transform_12, window_bounds = array<i64: 1, 8, 4608>}, {transform_indices = @transform_13, window_bounds = array<i64: 1, 8, 4608>}, {transform_indices = @transform_14, window_bounds = array<i64: 1, 8, 4608>}]} {
    %get3A = arith.constant 0 : index
    %get3A_0 = arith.constant 0 : index
    %get3A_1 = vector.load %arg6[%get3A, %get3A_0] : memref<8x4608xf32, #tpu.memory_space<vmem>>, vector<8x4608xf32>
    %get3A_2 = arith.constant 0 : index
    %get3A_3 = arith.constant 0 : index
    %get3A_4 = vector.load %arg7[%get3A_2, %get3A_3] : memref<8x4608xf32, #tpu.memory_space<vmem>>, vector<8x4608xf32>
    %get3A_5 = arith.constant 0 : index
    %get3A_6 = arith.constant 0 : index
    %get3A_7 = arith.constant 0 : index
    %get3A_8 = vector.load %arg2[%get3A_5, %get3A_6, %get3A_7] : memref<1x8x4608xf32, #tpu.memory_space<vmem>>, vector<1x8x4608xf32>
    %get3A_9 = vector.shape_cast %get3A_8 : vector<1x8x4608xf32> to vector<8x4608xf32>
    %mul3A = arith.mulf %get3A_9, %get3A_1 : vector<8x4608xf32>
    %get3A_10 = arith.constant 0 : index
    %get3A_11 = arith.constant 0 : index
    %get3A_12 = vector.load %arg8[%get3A_10, %get3A_11] : memref<8x4608xf32, #tpu.memory_space<vmem>>, vector<8x4608xf32>
    %add3A = arith.addf %mul3A, %get3A_12 : vector<8x4608xf32>
    %get3A_13 = arith.constant 0 : index
    %get3A_14 = arith.constant 0 : index
    %get3A_15 = arith.constant 0 : index
    %get3A_16 = vector.load %arg3[%get3A_13, %get3A_14, %get3A_15] : memref<1x8x4608xf32, #tpu.memory_space<vmem>>, vector<1x8x4608xf32>
    %get3A_17 = vector.shape_cast %get3A_16 : vector<1x8x4608xf32> to vector<8x4608xf32>
    %mul3A_18 = arith.mulf %get3A_17, %get3A_4 : vector<8x4608xf32>
    %get3A_19 = arith.constant 0 : index
    %get3A_20 = arith.constant 0 : index
    %get3A_21 = vector.load %arg9[%get3A_19, %get3A_20] : memref<8x4608xf32, #tpu.memory_space<vmem>>, vector<8x4608xf32>
    %add3A_22 = arith.addf %mul3A_18, %get3A_21 : vector<8x4608xf32>
    %get3A_23 = arith.constant 0 : index
    %get3A_24 = arith.constant 0 : index
    %get3A_25 = arith.constant 0 : index
    %get3A_26 = vector.load %arg4[%get3A_23, %get3A_24, %get3A_25] : memref<1x8x4608xf32, #tpu.memory_space<vmem>>, vector<1x8x4608xf32>
    %get3A_27 = vector.shape_cast %get3A_26 : vector<1x8x4608xf32> to vector<8x4608xf32>
    %exp3A = math.exp %get3A_27 : vector<8x4608xf32>
    %mul3A_28 = arith.mulf %exp3A, %get3A_1 : vector<8x4608xf32>
    %get3A_29 = arith.constant 0 : index
    %get3A_30 = arith.constant 0 : index
    %get3A_31 = arith.constant 0 : index
    %get3A_32 = vector.load %arg5[%get3A_29, %get3A_30, %get3A_31] : memref<1x8x4608xf32, #tpu.memory_space<vmem>>, vector<1x8x4608xf32>
    %get3A_33 = vector.shape_cast %get3A_32 : vector<1x8x4608xf32> to vector<8x4608xf32>
    %exp3A_34 = math.exp %get3A_33 : vector<8x4608xf32>
    %mul3A_35 = arith.mulf %exp3A_34, %get3A_4 : vector<8x4608xf32>
    %get3A_36 = arith.constant 0 : index
    %get3A_37 = arith.constant 0 : index
    %get3A_38 = vector.load %arg10[%get3A_36, %get3A_37] : memref<1x2xf32, #tpu.memory_space<vmem>>, vector<1x1xf32>
    %get3A_39 = vector.extract %get3A_38[0, 0] : f32 from vector<1x1xf32>
    %sub3A = arith.constant 1.000000e+00 : f32
    %sub3A_40 = arith.subf %get3A_39, %sub3A : f32
    %get3A_41 = arith.constant 0 : index
    %get3A_42 = arith.constant 1 : index
    %get3A_43 = vector.load %arg10[%get3A_41, %get3A_42] : memref<1x2xf32, #tpu.memory_space<vmem>>, vector<1x1xf32>
    %get3A_44 = vector.extract %get3A_43[0, 0] : f32 from vector<1x1xf32>
    %sub3A_45 = arith.constant 1.000000e+00 : f32
    %sub3A_46 = arith.subf %get3A_44, %sub3A_45 : f32
    %mul3A_47 = arith.constant 5.000000e-01 : f32
    %mul3A_48 = vector.broadcast %mul3A_47 : f32 to vector<8x4608xf32>
    %mul3A_49 = arith.mulf %mul3A_48, %mul3A_28 : vector<8x4608xf32>
    %sub3A_50 = arith.subf %add3A, %mul3A_49 : vector<8x4608xf32>
    %jit3A = arith.constant 0.000000e+00 : f32
    %max3A = vector.broadcast %jit3A : f32 to vector<8x4608xf32>
    %max3A_51 = arith.maximumf %max3A, %sub3A_50 : vector<8x4608xf32>
    %min3A = vector.broadcast %sub3A_40 : f32 to vector<8x4608xf32>
    %min3A_52 = arith.minimumf %min3A, %max3A_51 : vector<8x4608xf32>
    %swap3A = arith.constant 0 : index
    %swap3A_53 = arith.constant 0 : index
    %swap3A_54 = arith.constant 0 : index
    %swap3A_55 = vector.load %arg11[%swap3A, %swap3A_53, %swap3A_54] : memref<1x8x4608xf32, #tpu.memory_space<vmem>>, vector<1x8x4608xf32>
    %swap3A_56 = vector.shape_cast %swap3A_55 : vector<1x8x4608xf32> to vector<8x4608xf32>
    %swap3A_57 = vector.shape_cast %min3A_52 : vector<8x4608xf32> to vector<1x8x4608xf32>
    tpu.vector_store %arg11[%swap3A, %swap3A_53, %swap3A_54], %swap3A_57 {strides = array<i32>} : memref<1x8x4608xf32, #tpu.memory_space<vmem>>, vector<1x8x4608xf32>,
    %mul3A_58 = arith.constant 5.000000e-01 : f32
    %mul3A_59 = vector.broadcast %mul3A_58 : f32 to vector<8x4608xf32>
    %mul3A_60 = arith.mulf %mul3A_59, %mul3A_35 : vector<8x4608xf32>
    %sub3A_61 = arith.subf %add3A_22, %mul3A_60 : vector<8x4608xf32>
    %jit3A_62 = arith.constant 0.000000e+00 : f32
    %max3A_63 = vector.broadcast %jit3A_62 : f32 to vector<8x4608xf32>
    %max3A_64 = arith.maximumf %max3A_63, %sub3A_61 : vector<8x4608xf32>
    %min3A_65 = vector.broadcast %sub3A_46 : f32 to vector<8x4608xf32>
    %min3A_66 = arith.minimumf %min3A_65, %max3A_64 : vector<8x4608xf32>
    %swap3A_67 = arith.constant 0 : index
    %swap3A_68 = arith.constant 0 : index
    %swap3A_69 = arith.constant 0 : index
    %swap3A_70 = vector.load %arg12[%swap3A_67, %swap3A_68, %swap3A_69] : memref<1x8x4608xf32, #tpu.memory_space<vmem>>, vector<1x8x4608xf32>
    %swap3A_71 = vector.shape_cast %swap3A_70 : vector<1x8x4608xf32> to vector<8x4608xf32>
    %swap3A_72 = vector.shape_cast %min3A_66 : vector<8x4608xf32> to vector<1x8x4608xf32>
    tpu.vector_store %arg12[%swap3A_67, %swap3A_68, %swap3A_69], %swap3A_72 {strides = array<i32>} : memref<1x8x4608xf32, #tpu.memory_space<vmem>>, vector<1x8x4608xf32>,
    %mul3A_73 = arith.constant 5.000000e-01 : f32
    %mul3A_74 = vector.broadcast %mul3A_73 : f32 to vector<8x4608xf32>
    %mul3A_75 = arith.mulf %mul3A_74, %mul3A_28 : vector<8x4608xf32>
    %add3A_76 = arith.addf %add3A, %mul3A_75 : vector<8x4608xf32>
    %jit3A_77 = arith.constant 0.000000e+00 : f32
    %max3A_78 = vector.broadcast %jit3A_77 : f32 to vector<8x4608xf32>
    %max3A_79 = arith.maximumf %max3A_78, %add3A_76 : vector<8x4608xf32>
    %min3A_80 = vector.broadcast %sub3A_40 : f32 to vector<8x4608xf32>
    %min3A_81 = arith.minimumf %min3A_80, %max3A_79 : vector<8x4608xf32>
    %swap3A_82 = arith.constant 0 : index
    %swap3A_83 = arith.constant 0 : index
    %swap3A_84 = arith.constant 0 : index
    %swap3A_85 = vector.load %arg13[%swap3A_82, %swap3A_83, %swap3A_84] : memref<1x8x4608xf32, #tpu.memory_space<vmem>>, vector<1x8x4608xf32>
    %swap3A_86 = vector.shape_cast %swap3A_85 : vector<1x8x4608xf32> to vector<8x4608xf32>
    %swap3A_87 = vector.shape_cast %min3A_81 : vector<8x4608xf32> to vector<1x8x4608xf32>
    tpu.vector_store %arg13[%swap3A_82, %swap3A_83, %swap3A_84], %swap3A_87 {strides = array<i32>} : memref<1x8x4608xf32, #tpu.memory_space<vmem>>, vector<1x8x4608xf32>,
    %mul3A_88 = arith.constant 5.000000e-01 : f32
    %mul3A_89 = vector.broadcast %mul3A_88 : f32 to vector<8x4608xf32>
    %mul3A_90 = arith.mulf %mul3A_89, %mul3A_35 : vector<8x4608xf32>
    %add3A_91 = arith.addf %add3A_22, %mul3A_90 : vector<8x4608xf32>
    %jit3A_92 = arith.constant 0.000000e+00 : f32
    %max3A_93 = vector.broadcast %jit3A_92 : f32 to vector<8x4608xf32>
    %max3A_94 = arith.maximumf %max3A_93, %add3A_91 : vector<8x4608xf32>
    %min3A_95 = vector.broadcast %sub3A_46 : f32 to vector<8x4608xf32>
    %min3A_96 = arith.minimumf %min3A_95, %max3A_94 : vector<8x4608xf32>
    %swap3A_97 = arith.constant 0 : index
    %swap3A_98 = arith.constant 0 : index
    %swap3A_99 = arith.constant 0 : index
    %swap3A_100 = vector.load %arg14[%swap3A_97, %swap3A_98, %swap3A_99] : memref<1x8x4608xf32, #tpu.memory_space<vmem>>, vector<1x8x4608xf32>
    %swap3A_101 = vector.shape_cast %swap3A_100 : vector<1x8x4608xf32> to vector<8x4608xf32>
    %swap3A_102 = vector.shape_cast %min3A_96 : vector<8x4608xf32> to vector<1x8x4608xf32>
    tpu.vector_store %arg14[%swap3A_97, %swap3A_98, %swap3A_99], %swap3A_102 {strides = array<i32>} : memref<1x8x4608xf32, #tpu.memory_space<vmem>>, vector<1x8x4608xf32>,
    %get3A_103 = arith.constant 0 : index
    %get3A_104 = arith.constant 0 : index
    %get3A_105 = arith.constant 0 : index
    %get3A_106 = vector.load %arg1[%get3A_103, %get3A_104, %get3A_105] : memref<1x8x4608xf32, #tpu.memory_space<vmem>>, vector<1x8x4608xf32>
    %get3A_107 = vector.shape_cast %get3A_106 : vector<1x8x4608xf32> to vector<8x4608xf32>
    %bitcast_convert_type3A = tpu.bitcast %get3A_107 : vector<8x4608xf32> -> vector<8x4608xi32>
    %lt3A = arith.constant 0 : i32
    %lt3A_108 = vector.broadcast %lt3A : i32 to vector<8x4608xi32>
    %lt3A_109 = arith.cmpi slt, %bitcast_convert_type3A, %lt3A_108 : vector<8x4608xi32>
    %xor3A = arith.constant 2147483647 : i32
    %xor3A_110 = vector.broadcast %xor3A : i32 to vector<8x4608xi32>
    %xor3A_111 = arith.xori %bitcast_convert_type3A, %xor3A_110 : vector<8x4608xi32>
    %select_n3A = arith.select %lt3A_109, %xor3A_111, %bitcast_convert_type3A : vector<8x4608xi1>, vector<8x4608xi32>
    %or3A = arith.constant 0 : i32
    %or3A_112 = arith.constant -2147483648 : i32
    %or3A_113 = arith.ori %or3A, %or3A_112 : i32
    %xor3A_114 = arith.constant -2147483648 : i32
    %xor3A_115 = arith.xori %or3A_113, %xor3A_114 : i32
    %ge3A = vector.broadcast %xor3A_115 : i32 to vector<8x4608xi32>
    %ge3A_116 = arith.cmpi sge, %select_n3A, %ge3A : vector<8x4608xi32>
    %convert_element_type3A = arith.extui %ge3A_116 : vector<8x4608xi1> to vector<8x4608xi32>
    %reduce_sum3A = vector.shape_cast %convert_element_type3A : vector<8x4608xi32> to vector<1x8x4608xi32>
    %reduce_sum3A_117 = arith.constant dense<0> : vector<1xi32>
    %reduce_sum3A_118 = vector.multi_reduction <add>, %reduce_sum3A, %reduce_sum3A_117 [1, 2] : vector<1x8x4608xi32> to vector<1xi32>
    %reduce_sum3A_119 = vector.shape_cast %reduce_sum3A_118 : vector<1xi32> to vector<1x1x1xi32>
    %reduce_sum3A_120 = vector.extract %reduce_sum3A_119[0, 0, 0] : i32 from vector<1x1x1xi32>
    %ge3A_121 = arith.constant 6000 : i32
    %ge3A_122 = arith.cmpi sge, %reduce_sum3A_120, %ge3A_121 : i32
    %jit3A_123 = arith.constant 0 : i32
    %select_n3A_124 = arith.select %ge3A_122, %or3A_113, %jit3A_123 : i32
    %or3A_125 = arith.constant 1073741824 : i32
    %or3A_126 = arith.ori %select_n3A_124, %or3A_125 : i32
    %xor3A_127 = arith.constant -2147483648 : i32
    %xor3A_128 = arith.xori %or3A_126, %xor3A_127 : i32
    %ge3A_129 = vector.broadcast %xor3A_128 : i32 to vector<8x4608xi32>
    %ge3A_130 = arith.cmpi sge, %select_n3A, %ge3A_129 : vector<8x4608xi32>
    %convert_element_type3A_131 = arith.extui %ge3A_130 : vector<8x4608xi1> to vector<8x4608xi32>
    %reduce_sum3A_132 = vector.shape_cast %convert_element_type3A_131 : vector<8x4608xi32> to vector<1x8x4608xi32>
    %reduce_sum3A_133 = arith.constant dense<0> : vector<1xi32>
    %reduce_sum3A_134 = vector.multi_reduction <add>, %reduce_sum3A_132, %reduce_sum3A_133 [1, 2] : vector<1x8x4608xi32> to vector<1xi32>
    %reduce_sum3A_135 = vector.shape_cast %reduce_sum3A_134 : vector<1xi32> to vector<1x1x1xi32>
    %reduce_sum3A_136 = vector.extract %reduce_sum3A_135[0, 0, 0] : i32 from vector<1x1x1xi32>
    %ge3A_137 = arith.constant 6000 : i32
    %ge3A_138 = arith.cmpi sge, %reduce_sum3A_136, %ge3A_137 : i32
    %select_n3A_139 = arith.select %ge3A_138, %or3A_126, %select_n3A_124 : i32
    %or3A_140 = arith.constant 536870912 : i32
    %or3A_141 = arith.ori %select_n3A_139, %or3A_140 : i32
    %xor3A_142 = arith.constant -2147483648 : i32
    %xor3A_143 = arith.xori %or3A_141, %xor3A_142 : i32
    %ge3A_144 = vector.broadcast %xor3A_143 : i32 to vector<8x4608xi32>
    %ge3A_145 = arith.cmpi sge, %select_n3A, %ge3A_144 : vector<8x4608xi32>
    %convert_element_type3A_146 = arith.extui %ge3A_145 : vector<8x4608xi1> to vector<8x4608xi32>
    %reduce_sum3A_147 = vector.shape_cast %convert_element_type3A_146 : vector<8x4608xi32> to vector<1x8x4608xi32>
    %reduce_sum3A_148 = arith.constant dense<0> : vector<1xi32>
    %reduce_sum3A_149 = vector.multi_reduction <add>, %reduce_sum3A_147, %reduce_sum3A_148 [1, 2] : vector<1x8x4608xi32> to vector<1xi32>
    %reduce_sum3A_150 = vector.shape_cast %reduce_sum3A_149 : vector<1xi32> to vector<1x1x1xi32>
    %reduce_sum3A_151 = vector.extract %reduce_sum3A_150[0, 0, 0] : i32 from vector<1x1x1xi32>
    %ge3A_152 = arith.constant 6000 : i32
    %ge3A_153 = arith.cmpi sge, %reduce_sum3A_151, %ge3A_152 : i32
    %select_n3A_154 = arith.select %ge3A_153, %or3A_141, %select_n3A_139 : i32
    %or3A_155 = arith.constant 268435456 : i32
    %or3A_156 = arith.ori %select_n3A_154, %or3A_155 : i32
    %xor3A_157 = arith.constant -2147483648 : i32
    %xor3A_158 = arith.xori %or3A_156, %xor3A_157 : i32
    %ge3A_159 = vector.broadcast %xor3A_158 : i32 to vector<8x4608xi32>
    %ge3A_160 = arith.cmpi sge, %select_n3A, %ge3A_159 : vector<8x4608xi32>
    %convert_element_type3A_161 = arith.extui %ge3A_160 : vector<8x4608xi1> to vector<8x4608xi32>
    %reduce_sum3A_162 = vector.shape_cast %convert_element_type3A_161 : vector<8x4608xi32> to vector<1x8x4608xi32>
    %reduce_sum3A_163 = arith.constant dense<0> : vector<1xi32>
    %reduce_sum3A_164 = vector.multi_reduction <add>, %reduce_sum3A_162, %reduce_sum3A_163 [1, 2] : vector<1x8x4608xi32> to vector<1xi32>
    %reduce_sum3A_165 = vector.shape_cast %reduce_sum3A_164 : vector<1xi32> to vector<1x1x1xi32>
    %reduce_sum3A_166 = vector.extract %reduce_sum3A_165[0, 0, 0] : i32 from vector<1x1x1xi32>
    %ge3A_167 = arith.constant 6000 : i32
    %ge3A_168 = arith.cmpi sge, %reduce_sum3A_166, %ge3A_167 : i32
    %select_n3A_169 = arith.select %ge3A_168, %or3A_156, %select_n3A_154 : i32
    %or3A_170 = arith.constant 134217728 : i32
    %or3A_171 = arith.ori %select_n3A_169, %or3A_170 : i32
    %xor3A_172 = arith.constant -2147483648 : i32
    %xor3A_173 = arith.xori %or3A_171, %xor3A_172 : i32
    %ge3A_174 = vector.broadcast %xor3A_173 : i32 to vector<8x4608xi32>
    %ge3A_175 = arith.cmpi sge, %select_n3A, %ge3A_174 : vector<8x4608xi32>
    %convert_element_type3A_176 = arith.extui %ge3A_175 : vector<8x4608xi1> to vector<8x4608xi32>
    %reduce_sum3A_177 = vector.shape_cast %convert_element_type3A_176 : vector<8x4608xi32> to vector<1x8x4608xi32>
    %reduce_sum3A_178 = arith.constant dense<0> : vector<1xi32>
    %reduce_sum3A_179 = vector.multi_reduction <add>, %reduce_sum3A_177, %reduce_sum3A_178 [1, 2] : vector<1x8x4608xi32> to vector<1xi32>
    %reduce_sum3A_180 = vector.shape_cast %reduce_sum3A_179 : vector<1xi32> to vector<1x1x1xi32>
    %reduce_sum3A_181 = vector.extract %reduce_sum3A_180[0, 0, 0] : i32 from vector<1x1x1xi32>
    %ge3A_182 = arith.constant 6000 : i32
    %ge3A_183 = arith.cmpi sge, %reduce_sum3A_181, %ge3A_182 : i32
    %select_n3A_184 = arith.select %ge3A_183, %or3A_171, %select_n3A_169 : i32
    %or3A_185 = arith.constant 67108864 : i32
    %or3A_186 = arith.ori %select_n3A_184, %or3A_185 : i32
    %xor3A_187 = arith.constant -2147483648 : i32
    %xor3A_188 = arith.xori %or3A_186, %xor3A_187 : i32
    %ge3A_189 = vector.broadcast %xor3A_188 : i32 to vector<8x4608xi32>
    %ge3A_190 = arith.cmpi sge, %select_n3A, %ge3A_189 : vector<8x4608xi32>
    %convert_element_type3A_191 = arith.extui %ge3A_190 : vector<8x4608xi1> to vector<8x4608xi32>
    %reduce_sum3A_192 = vector.shape_cast %convert_element_type3A_191 : vector<8x4608xi32> to vector<1x8x4608xi32>
    %reduce_sum3A_193 = arith.constant dense<0> : vector<1xi32>
    %reduce_sum3A_194 = vector.multi_reduction <add>, %reduce_sum3A_192, %reduce_sum3A_193 [1, 2] : vector<1x8x4608xi32> to vector<1xi32>
    %reduce_sum3A_195 = vector.shape_cast %reduce_sum3A_194 : vector<1xi32> to vector<1x1x1xi32>
    %reduce_sum3A_196 = vector.extract %reduce_sum3A_195[0, 0, 0] : i32 from vector<1x1x1xi32>
    %ge3A_197 = arith.constant 6000 : i32
    %ge3A_198 = arith.cmpi sge, %reduce_sum3A_196, %ge3A_197 : i32
    %select_n3A_199 = arith.select %ge3A_198, %or3A_186, %select_n3A_184 : i32
    %or3A_200 = arith.constant 33554432 : i32
    %or3A_201 = arith.ori %select_n3A_199, %or3A_200 : i32
    %xor3A_202 = arith.constant -2147483648 : i32
    %xor3A_203 = arith.xori %or3A_201, %xor3A_202 : i32
    %ge3A_204 = vector.broadcast %xor3A_203 : i32 to vector<8x4608xi32>
    %ge3A_205 = arith.cmpi sge, %select_n3A, %ge3A_204 : vector<8x4608xi32>
    %convert_element_type3A_206 = arith.extui %ge3A_205 : vector<8x4608xi1> to vector<8x4608xi32>
    %reduce_sum3A_207 = vector.shape_cast %convert_element_type3A_206 : vector<8x4608xi32> to vector<1x8x4608xi32>
    %reduce_sum3A_208 = arith.constant dense<0> : vector<1xi32>
    %reduce_sum3A_209 = vector.multi_reduction <add>, %reduce_sum3A_207, %reduce_sum3A_208 [1, 2] : vector<1x8x4608xi32> to vector<1xi32>
    %reduce_sum3A_210 = vector.shape_cast %reduce_sum3A_209 : vector<1xi32> to vector<1x1x1xi32>
    %reduce_sum3A_211 = vector.extract %reduce_sum3A_210[0, 0, 0] : i32 from vector<1x1x1xi32>
    %ge3A_212 = arith.constant 6000 : i32
    %ge3A_213 = arith.cmpi sge, %reduce_sum3A_211, %ge3A_212 : i32
    %select_n3A_214 = arith.select %ge3A_213, %or3A_201, %select_n3A_199 : i32
    %or3A_215 = arith.constant 16777216 : i32
    %or3A_216 = arith.ori %select_n3A_214, %or3A_215 : i32
    %xor3A_217 = arith.constant -2147483648 : i32
    %xor3A_218 = arith.xori %or3A_216, %xor3A_217 : i32
    %ge3A_219 = vector.broadcast %xor3A_218 : i32 to vector<8x4608xi32>
    %ge3A_220 = arith.cmpi sge, %select_n3A, %ge3A_219 : vector<8x4608xi32>
    %convert_element_type3A_221 = arith.extui %ge3A_220 : vector<8x4608xi1> to vector<8x4608xi32>
    %reduce_sum3A_222 = vector.shape_cast %convert_element_type3A_221 : vector<8x4608xi32> to vector<1x8x4608xi32>
    %reduce_sum3A_223 = arith.constant dense<0> : vector<1xi32>
    %reduce_sum3A_224 = vector.multi_reduction <add>, %reduce_sum3A_222, %reduce_sum3A_223 [1, 2] : vector<1x8x4608xi32> to vector<1xi32>
    %reduce_sum3A_225 = vector.shape_cast %reduce_sum3A_224 : vector<1xi32> to vector<1x1x1xi32>
    %reduce_sum3A_226 = vector.extract %reduce_sum3A_225[0, 0, 0] : i32 from vector<1x1x1xi32>
    %ge3A_227 = arith.constant 6000 : i32
    %ge3A_228 = arith.cmpi sge, %reduce_sum3A_226, %ge3A_227 : i32
    %select_n3A_229 = arith.select %ge3A_228, %or3A_216, %select_n3A_214 : i32
    %or3A_230 = arith.constant 8388608 : i32
    %or3A_231 = arith.ori %select_n3A_229, %or3A_230 : i32
    %xor3A_232 = arith.constant -2147483648 : i32
    %xor3A_233 = arith.xori %or3A_231, %xor3A_232 : i32
    %ge3A_234 = vector.broadcast %xor3A_233 : i32 to vector<8x4608xi32>
    %ge3A_235 = arith.cmpi sge, %select_n3A, %ge3A_234 : vector<8x4608xi32>
    %convert_element_type3A_236 = arith.extui %ge3A_235 : vector<8x4608xi1> to vector<8x4608xi32>
    %reduce_sum3A_237 = vector.shape_cast %convert_element_type3A_236 : vector<8x4608xi32> to vector<1x8x4608xi32>
    %reduce_sum3A_238 = arith.constant dense<0> : vector<1xi32>
    %reduce_sum3A_239 = vector.multi_reduction <add>, %reduce_sum3A_237, %reduce_sum3A_238 [1, 2] : vector<1x8x4608xi32> to vector<1xi32>
    %reduce_sum3A_240 = vector.shape_cast %reduce_sum3A_239 : vector<1xi32> to vector<1x1x1xi32>
    %reduce_sum3A_241 = vector.extract %reduce_sum3A_240[0, 0, 0] : i32 from vector<1x1x1xi32>
    %ge3A_242 = arith.constant 6000 : i32
    %ge3A_243 = arith.cmpi sge, %reduce_sum3A_241, %ge3A_242 : i32
    %select_n3A_244 = arith.select %ge3A_243, %or3A_231, %select_n3A_229 : i32
    %or3A_245 = arith.constant 4194304 : i32
    %or3A_246 = arith.ori %select_n3A_244, %or3A_245 : i32
    %xor3A_247 = arith.constant -2147483648 : i32
    %xor3A_248 = arith.xori %or3A_246, %xor3A_247 : i32
    %ge3A_249 = vector.broadcast %xor3A_248 : i32 to vector<8x4608xi32>
    %ge3A_250 = arith.cmpi sge, %select_n3A, %ge3A_249 : vector<8x4608xi32>
    %convert_element_type3A_251 = arith.extui %ge3A_250 : vector<8x4608xi1> to vector<8x4608xi32>
    %reduce_sum3A_252 = vector.shape_cast %convert_element_type3A_251 : vector<8x4608xi32> to vector<1x8x4608xi32>
    %reduce_sum3A_253 = arith.constant dense<0> : vector<1xi32>
    %reduce_sum3A_254 = vector.multi_reduction <add>, %reduce_sum3A_252, %reduce_sum3A_253 [1, 2] : vector<1x8x4608xi32> to vector<1xi32>
    %reduce_sum3A_255 = vector.shape_cast %reduce_sum3A_254 : vector<1xi32> to vector<1x1x1xi32>
    %reduce_sum3A_256 = vector.extract %reduce_sum3A_255[0, 0, 0] : i32 from vector<1x1x1xi32>
    %ge3A_257 = arith.constant 6000 : i32
    %ge3A_258 = arith.cmpi sge, %reduce_sum3A_256, %ge3A_257 : i32
    %select_n3A_259 = arith.select %ge3A_258, %or3A_246, %select_n3A_244 : i32
    %or3A_260 = arith.constant 2097152 : i32
    %or3A_261 = arith.ori %select_n3A_259, %or3A_260 : i32
    %xor3A_262 = arith.constant -2147483648 : i32
    %xor3A_263 = arith.xori %or3A_261, %xor3A_262 : i32
    %ge3A_264 = vector.broadcast %xor3A_263 : i32 to vector<8x4608xi32>
    %ge3A_265 = arith.cmpi sge, %select_n3A, %ge3A_264 : vector<8x4608xi32>
    %convert_element_type3A_266 = arith.extui %ge3A_265 : vector<8x4608xi1> to vector<8x4608xi32>
    %reduce_sum3A_267 = vector.shape_cast %convert_element_type3A_266 : vector<8x4608xi32> to vector<1x8x4608xi32>
    %reduce_sum3A_268 = arith.constant dense<0> : vector<1xi32>
    %reduce_sum3A_269 = vector.multi_reduction <add>, %reduce_sum3A_267, %reduce_sum3A_268 [1, 2] : vector<1x8x4608xi32> to vector<1xi32>
    %reduce_sum3A_270 = vector.shape_cast %reduce_sum3A_269 : vector<1xi32> to vector<1x1x1xi32>
    %reduce_sum3A_271 = vector.extract %reduce_sum3A_270[0, 0, 0] : i32 from vector<1x1x1xi32>
    %ge3A_272 = arith.constant 6000 : i32
    %ge3A_273 = arith.cmpi sge, %reduce_sum3A_271, %ge3A_272 : i32
    %select_n3A_274 = arith.select %ge3A_273, %or3A_261, %select_n3A_259 : i32
    %or3A_275 = arith.constant 1048576 : i32
    %or3A_276 = arith.ori %select_n3A_274, %or3A_275 : i32
    %xor3A_277 = arith.constant -2147483648 : i32
    %xor3A_278 = arith.xori %or3A_276, %xor3A_277 : i32
    %ge3A_279 = vector.broadcast %xor3A_278 : i32 to vector<8x4608xi32>
    %ge3A_280 = arith.cmpi sge, %select_n3A, %ge3A_279 : vector<8x4608xi32>
    %convert_element_type3A_281 = arith.extui %ge3A_280 : vector<8x4608xi1> to vector<8x4608xi32>
    %reduce_sum3A_282 = vector.shape_cast %convert_element_type3A_281 : vector<8x4608xi32> to vector<1x8x4608xi32>
    %reduce_sum3A_283 = arith.constant dense<0> : vector<1xi32>
    %reduce_sum3A_284 = vector.multi_reduction <add>, %reduce_sum3A_282, %reduce_sum3A_283 [1, 2] : vector<1x8x4608xi32> to vector<1xi32>
    %reduce_sum3A_285 = vector.shape_cast %reduce_sum3A_284 : vector<1xi32> to vector<1x1x1xi32>
    %reduce_sum3A_286 = vector.extract %reduce_sum3A_285[0, 0, 0] : i32 from vector<1x1x1xi32>
    %ge3A_287 = arith.constant 6000 : i32
    %ge3A_288 = arith.cmpi sge, %reduce_sum3A_286, %ge3A_287 : i32
    %select_n3A_289 = arith.select %ge3A_288, %or3A_276, %select_n3A_274 : i32
    %or3A_290 = arith.constant 524288 : i32
    %or3A_291 = arith.ori %select_n3A_289, %or3A_290 : i32
    %xor3A_292 = arith.constant -2147483648 : i32
    %xor3A_293 = arith.xori %or3A_291, %xor3A_292 : i32
    %ge3A_294 = vector.broadcast %xor3A_293 : i32 to vector<8x4608xi32>
    %ge3A_295 = arith.cmpi sge, %select_n3A, %ge3A_294 : vector<8x4608xi32>
    %convert_element_type3A_296 = arith.extui %ge3A_295 : vector<8x4608xi1> to vector<8x4608xi32>
    %reduce_sum3A_297 = vector.shape_cast %convert_element_type3A_296 : vector<8x4608xi32> to vector<1x8x4608xi32>
    %reduce_sum3A_298 = arith.constant dense<0> : vector<1xi32>
    %reduce_sum3A_299 = vector.multi_reduction <add>, %reduce_sum3A_297, %reduce_sum3A_298 [1, 2] : vector<1x8x4608xi32> to vector<1xi32>
    %reduce_sum3A_300 = vector.shape_cast %reduce_sum3A_299 : vector<1xi32> to vector<1x1x1xi32>
    %reduce_sum3A_301 = vector.extract %reduce_sum3A_300[0, 0, 0] : i32 from vector<1x1x1xi32>
    %ge3A_302 = arith.constant 6000 : i32
    %ge3A_303 = arith.cmpi sge, %reduce_sum3A_301, %ge3A_302 : i32
    %select_n3A_304 = arith.select %ge3A_303, %or3A_291, %select_n3A_289 : i32
    %or3A_305 = arith.constant 262144 : i32
    %or3A_306 = arith.ori %select_n3A_304, %or3A_305 : i32
    %xor3A_307 = arith.constant -2147483648 : i32
    %xor3A_308 = arith.xori %or3A_306, %xor3A_307 : i32
    %ge3A_309 = vector.broadcast %xor3A_308 : i32 to vector<8x4608xi32>
    %ge3A_310 = arith.cmpi sge, %select_n3A, %ge3A_309 : vector<8x4608xi32>
    %convert_element_type3A_311 = arith.extui %ge3A_310 : vector<8x4608xi1> to vector<8x4608xi32>
    %reduce_sum3A_312 = vector.shape_cast %convert_element_type3A_311 : vector<8x4608xi32> to vector<1x8x4608xi32>
    %reduce_sum3A_313 = arith.constant dense<0> : vector<1xi32>
    %reduce_sum3A_314 = vector.multi_reduction <add>, %reduce_sum3A_312, %reduce_sum3A_313 [1, 2] : vector<1x8x4608xi32> to vector<1xi32>
    %reduce_sum3A_315 = vector.shape_cast %reduce_sum3A_314 : vector<1xi32> to vector<1x1x1xi32>
    %reduce_sum3A_316 = vector.extract %reduce_sum3A_315[0, 0, 0] : i32 from vector<1x1x1xi32>
    %ge3A_317 = arith.constant 6000 : i32
    %ge3A_318 = arith.cmpi sge, %reduce_sum3A_316, %ge3A_317 : i32
    %select_n3A_319 = arith.select %ge3A_318, %or3A_306, %select_n3A_304 : i32
    %or3A_320 = arith.constant 131072 : i32
    %or3A_321 = arith.ori %select_n3A_319, %or3A_320 : i32
    %xor3A_322 = arith.constant -2147483648 : i32
    %xor3A_323 = arith.xori %or3A_321, %xor3A_322 : i32
    %ge3A_324 = vector.broadcast %xor3A_323 : i32 to vector<8x4608xi32>
    %ge3A_325 = arith.cmpi sge, %select_n3A, %ge3A_324 : vector<8x4608xi32>
    %convert_element_type3A_326 = arith.extui %ge3A_325 : vector<8x4608xi1> to vector<8x4608xi32>
    %reduce_sum3A_327 = vector.shape_cast %convert_element_type3A_326 : vector<8x4608xi32> to vector<1x8x4608xi32>
    %reduce_sum3A_328 = arith.constant dense<0> : vector<1xi32>
    %reduce_sum3A_329 = vector.multi_reduction <add>, %reduce_sum3A_327, %reduce_sum3A_328 [1, 2] : vector<1x8x4608xi32> to vector<1xi32>
    %reduce_sum3A_330 = vector.shape_cast %reduce_sum3A_329 : vector<1xi32> to vector<1x1x1xi32>
    %reduce_sum3A_331 = vector.extract %reduce_sum3A_330[0, 0, 0] : i32 from vector<1x1x1xi32>
    %ge3A_332 = arith.constant 6000 : i32
    %ge3A_333 = arith.cmpi sge, %reduce_sum3A_331, %ge3A_332 : i32
    %select_n3A_334 = arith.select %ge3A_333, %or3A_321, %select_n3A_319 : i32
    %or3A_335 = arith.constant 65536 : i32
    %or3A_336 = arith.ori %select_n3A_334, %or3A_335 : i32
    %xor3A_337 = arith.constant -2147483648 : i32
    %xor3A_338 = arith.xori %or3A_336, %xor3A_337 : i32
    %ge3A_339 = vector.broadcast %xor3A_338 : i32 to vector<8x4608xi32>
    %ge3A_340 = arith.cmpi sge, %select_n3A, %ge3A_339 : vector<8x4608xi32>
    %convert_element_type3A_341 = arith.extui %ge3A_340 : vector<8x4608xi1> to vector<8x4608xi32>
    %reduce_sum3A_342 = vector.shape_cast %convert_element_type3A_341 : vector<8x4608xi32> to vector<1x8x4608xi32>
    %reduce_sum3A_343 = arith.constant dense<0> : vector<1xi32>
    %reduce_sum3A_344 = vector.multi_reduction <add>, %reduce_sum3A_342, %reduce_sum3A_343 [1, 2] : vector<1x8x4608xi32> to vector<1xi32>
    %reduce_sum3A_345 = vector.shape_cast %reduce_sum3A_344 : vector<1xi32> to vector<1x1x1xi32>
    %reduce_sum3A_346 = vector.extract %reduce_sum3A_345[0, 0, 0] : i32 from vector<1x1x1xi32>
    %ge3A_347 = arith.constant 6000 : i32
    %ge3A_348 = arith.cmpi sge, %reduce_sum3A_346, %ge3A_347 : i32
    %select_n3A_349 = arith.select %ge3A_348, %or3A_336, %select_n3A_334 : i32
    %or3A_350 = arith.constant 32768 : i32
    %or3A_351 = arith.ori %select_n3A_349, %or3A_350 : i32
    %xor3A_352 = arith.constant -2147483648 : i32
    %xor3A_353 = arith.xori %or3A_351, %xor3A_352 : i32
    %ge3A_354 = vector.broadcast %xor3A_353 : i32 to vector<8x4608xi32>
    %ge3A_355 = arith.cmpi sge, %select_n3A, %ge3A_354 : vector<8x4608xi32>
    %convert_element_type3A_356 = arith.extui %ge3A_355 : vector<8x4608xi1> to vector<8x4608xi32>
    %reduce_sum3A_357 = vector.shape_cast %convert_element_type3A_356 : vector<8x4608xi32> to vector<1x8x4608xi32>
    %reduce_sum3A_358 = arith.constant dense<0> : vector<1xi32>
    %reduce_sum3A_359 = vector.multi_reduction <add>, %reduce_sum3A_357, %reduce_sum3A_358 [1, 2] : vector<1x8x4608xi32> to vector<1xi32>
    %reduce_sum3A_360 = vector.shape_cast %reduce_sum3A_359 : vector<1xi32> to vector<1x1x1xi32>
    %reduce_sum3A_361 = vector.extract %reduce_sum3A_360[0, 0, 0] : i32 from vector<1x1x1xi32>
    %ge3A_362 = arith.constant 6000 : i32
    %ge3A_363 = arith.cmpi sge, %reduce_sum3A_361, %ge3A_362 : i32
    %select_n3A_364 = arith.select %ge3A_363, %or3A_351, %select_n3A_349 : i32
    %or3A_365 = arith.constant 16384 : i32
    %or3A_366 = arith.ori %select_n3A_364, %or3A_365 : i32
    %xor3A_367 = arith.constant -2147483648 : i32
    %xor3A_368 = arith.xori %or3A_366, %xor3A_367 : i32
    %ge3A_369 = vector.broadcast %xor3A_368 : i32 to vector<8x4608xi32>
    %ge3A_370 = arith.cmpi sge, %select_n3A, %ge3A_369 : vector<8x4608xi32>
    %convert_element_type3A_371 = arith.extui %ge3A_370 : vector<8x4608xi1> to vector<8x4608xi32>
    %reduce_sum3A_372 = vector.shape_cast %convert_element_type3A_371 : vector<8x4608xi32> to vector<1x8x4608xi32>
    %reduce_sum3A_373 = arith.constant dense<0> : vector<1xi32>
    %reduce_sum3A_374 = vector.multi_reduction <add>, %reduce_sum3A_372, %reduce_sum3A_373 [1, 2] : vector<1x8x4608xi32> to vector<1xi32>
    %reduce_sum3A_375 = vector.shape_cast %reduce_sum3A_374 : vector<1xi32> to vector<1x1x1xi32>
    %reduce_sum3A_376 = vector.extract %reduce_sum3A_375[0, 0, 0] : i32 from vector<1x1x1xi32>
    %ge3A_377 = arith.constant 6000 : i32
    %ge3A_378 = arith.cmpi sge, %reduce_sum3A_376, %ge3A_377 : i32
    %select_n3A_379 = arith.select %ge3A_378, %or3A_366, %select_n3A_364 : i32
    %or3A_380 = arith.constant 8192 : i32
    %or3A_381 = arith.ori %select_n3A_379, %or3A_380 : i32
    %xor3A_382 = arith.constant -2147483648 : i32
    %xor3A_383 = arith.xori %or3A_381, %xor3A_382 : i32
    %ge3A_384 = vector.broadcast %xor3A_383 : i32 to vector<8x4608xi32>
    %ge3A_385 = arith.cmpi sge, %select_n3A, %ge3A_384 : vector<8x4608xi32>
    %convert_element_type3A_386 = arith.extui %ge3A_385 : vector<8x4608xi1> to vector<8x4608xi32>
    %reduce_sum3A_387 = vector.shape_cast %convert_element_type3A_386 : vector<8x4608xi32> to vector<1x8x4608xi32>
    %reduce_sum3A_388 = arith.constant dense<0> : vector<1xi32>
    %reduce_sum3A_389 = vector.multi_reduction <add>, %reduce_sum3A_387, %reduce_sum3A_388 [1, 2] : vector<1x8x4608xi32> to vector<1xi32>
    %reduce_sum3A_390 = vector.shape_cast %reduce_sum3A_389 : vector<1xi32> to vector<1x1x1xi32>
    %reduce_sum3A_391 = vector.extract %reduce_sum3A_390[0, 0, 0] : i32 from vector<1x1x1xi32>
    %ge3A_392 = arith.constant 6000 : i32
    %ge3A_393 = arith.cmpi sge, %reduce_sum3A_391, %ge3A_392 : i32
    %select_n3A_394 = arith.select %ge3A_393, %or3A_381, %select_n3A_379 : i32
    %or3A_395 = arith.constant 4096 : i32
    %or3A_396 = arith.ori %select_n3A_394, %or3A_395 : i32
    %xor3A_397 = arith.constant -2147483648 : i32
    %xor3A_398 = arith.xori %or3A_396, %xor3A_397 : i32
    %ge3A_399 = vector.broadcast %xor3A_398 : i32 to vector<8x4608xi32>
    %ge3A_400 = arith.cmpi sge, %select_n3A, %ge3A_399 : vector<8x4608xi32>
    %convert_element_type3A_401 = arith.extui %ge3A_400 : vector<8x4608xi1> to vector<8x4608xi32>
    %reduce_sum3A_402 = vector.shape_cast %convert_element_type3A_401 : vector<8x4608xi32> to vector<1x8x4608xi32>
    %reduce_sum3A_403 = arith.constant dense<0> : vector<1xi32>
    %reduce_sum3A_404 = vector.multi_reduction <add>, %reduce_sum3A_402, %reduce_sum3A_403 [1, 2] : vector<1x8x4608xi32> to vector<1xi32>
    %reduce_sum3A_405 = vector.shape_cast %reduce_sum3A_404 : vector<1xi32> to vector<1x1x1xi32>
    %reduce_sum3A_406 = vector.extract %reduce_sum3A_405[0, 0, 0] : i32 from vector<1x1x1xi32>
    %ge3A_407 = arith.constant 6000 : i32
    %ge3A_408 = arith.cmpi sge, %reduce_sum3A_406, %ge3A_407 : i32
    %select_n3A_409 = arith.select %ge3A_408, %or3A_396, %select_n3A_394 : i32
    %or3A_410 = arith.constant 2048 : i32
    %or3A_411 = arith.ori %select_n3A_409, %or3A_410 : i32
    %xor3A_412 = arith.constant -2147483648 : i32
    %xor3A_413 = arith.xori %or3A_411, %xor3A_412 : i32
    %ge3A_414 = vector.broadcast %xor3A_413 : i32 to vector<8x4608xi32>
    %ge3A_415 = arith.cmpi sge, %select_n3A, %ge3A_414 : vector<8x4608xi32>
    %convert_element_type3A_416 = arith.extui %ge3A_415 : vector<8x4608xi1> to vector<8x4608xi32>
    %reduce_sum3A_417 = vector.shape_cast %convert_element_type3A_416 : vector<8x4608xi32> to vector<1x8x4608xi32>
    %reduce_sum3A_418 = arith.constant dense<0> : vector<1xi32>
    %reduce_sum3A_419 = vector.multi_reduction <add>, %reduce_sum3A_417, %reduce_sum3A_418 [1, 2] : vector<1x8x4608xi32> to vector<1xi32>
    %reduce_sum3A_420 = vector.shape_cast %reduce_sum3A_419 : vector<1xi32> to vector<1x1x1xi32>
    %reduce_sum3A_421 = vector.extract %reduce_sum3A_420[0, 0, 0] : i32 from vector<1x1x1xi32>
    %ge3A_422 = arith.constant 6000 : i32
    %ge3A_423 = arith.cmpi sge, %reduce_sum3A_421, %ge3A_422 : i32
    %select_n3A_424 = arith.select %ge3A_423, %or3A_411, %select_n3A_409 : i32
    %or3A_425 = arith.constant 1024 : i32
    %or3A_426 = arith.ori %select_n3A_424, %or3A_425 : i32
    %xor3A_427 = arith.constant -2147483648 : i32
    %xor3A_428 = arith.xori %or3A_426, %xor3A_427 : i32
    %ge3A_429 = vector.broadcast %xor3A_428 : i32 to vector<8x4608xi32>
    %ge3A_430 = arith.cmpi sge, %select_n3A, %ge3A_429 : vector<8x4608xi32>
    %convert_element_type3A_431 = arith.extui %ge3A_430 : vector<8x4608xi1> to vector<8x4608xi32>
    %reduce_sum3A_432 = vector.shape_cast %convert_element_type3A_431 : vector<8x4608xi32> to vector<1x8x4608xi32>
    %reduce_sum3A_433 = arith.constant dense<0> : vector<1xi32>
    %reduce_sum3A_434 = vector.multi_reduction <add>, %reduce_sum3A_432, %reduce_sum3A_433 [1, 2] : vector<1x8x4608xi32> to vector<1xi32>
    %reduce_sum3A_435 = vector.shape_cast %reduce_sum3A_434 : vector<1xi32> to vector<1x1x1xi32>
    %reduce_sum3A_436 = vector.extract %reduce_sum3A_435[0, 0, 0] : i32 from vector<1x1x1xi32>
    %ge3A_437 = arith.constant 6000 : i32
    %ge3A_438 = arith.cmpi sge, %reduce_sum3A_436, %ge3A_437 : i32
    %select_n3A_439 = arith.select %ge3A_438, %or3A_426, %select_n3A_424 : i32
    %or3A_440 = arith.constant 512 : i32
    %or3A_441 = arith.ori %select_n3A_439, %or3A_440 : i32
    %xor3A_442 = arith.constant -2147483648 : i32
    %xor3A_443 = arith.xori %or3A_441, %xor3A_442 : i32
    %ge3A_444 = vector.broadcast %xor3A_443 : i32 to vector<8x4608xi32>
    %ge3A_445 = arith.cmpi sge, %select_n3A, %ge3A_444 : vector<8x4608xi32>
    %convert_element_type3A_446 = arith.extui %ge3A_445 : vector<8x4608xi1> to vector<8x4608xi32>
    %reduce_sum3A_447 = vector.shape_cast %convert_element_type3A_446 : vector<8x4608xi32> to vector<1x8x4608xi32>
    %reduce_sum3A_448 = arith.constant dense<0> : vector<1xi32>
    %reduce_sum3A_449 = vector.multi_reduction <add>, %reduce_sum3A_447, %reduce_sum3A_448 [1, 2] : vector<1x8x4608xi32> to vector<1xi32>
    %reduce_sum3A_450 = vector.shape_cast %reduce_sum3A_449 : vector<1xi32> to vector<1x1x1xi32>
    %reduce_sum3A_451 = vector.extract %reduce_sum3A_450[0, 0, 0] : i32 from vector<1x1x1xi32>
    %ge3A_452 = arith.constant 6000 : i32
    %ge3A_453 = arith.cmpi sge, %reduce_sum3A_451, %ge3A_452 : i32
    %select_n3A_454 = arith.select %ge3A_453, %or3A_441, %select_n3A_439 : i32
    %or3A_455 = arith.constant 256 : i32
    %or3A_456 = arith.ori %select_n3A_454, %or3A_455 : i32
    %xor3A_457 = arith.constant -2147483648 : i32
    %xor3A_458 = arith.xori %or3A_456, %xor3A_457 : i32
    %ge3A_459 = vector.broadcast %xor3A_458 : i32 to vector<8x4608xi32>
    %ge3A_460 = arith.cmpi sge, %select_n3A, %ge3A_459 : vector<8x4608xi32>
    %convert_element_type3A_461 = arith.extui %ge3A_460 : vector<8x4608xi1> to vector<8x4608xi32>
    %reduce_sum3A_462 = vector.shape_cast %convert_element_type3A_461 : vector<8x4608xi32> to vector<1x8x4608xi32>
    %reduce_sum3A_463 = arith.constant dense<0> : vector<1xi32>
    %reduce_sum3A_464 = vector.multi_reduction <add>, %reduce_sum3A_462, %reduce_sum3A_463 [1, 2] : vector<1x8x4608xi32> to vector<1xi32>
    %reduce_sum3A_465 = vector.shape_cast %reduce_sum3A_464 : vector<1xi32> to vector<1x1x1xi32>
    %reduce_sum3A_466 = vector.extract %reduce_sum3A_465[0, 0, 0] : i32 from vector<1x1x1xi32>
    %ge3A_467 = arith.constant 6000 : i32
    %ge3A_468 = arith.cmpi sge, %reduce_sum3A_466, %ge3A_467 : i32
    %select_n3A_469 = arith.select %ge3A_468, %or3A_456, %select_n3A_454 : i32
    %or3A_470 = arith.constant 128 : i32
    %or3A_471 = arith.ori %select_n3A_469, %or3A_470 : i32
    %xor3A_472 = arith.constant -2147483648 : i32
    %xor3A_473 = arith.xori %or3A_471, %xor3A_472 : i32
    %ge3A_474 = vector.broadcast %xor3A_473 : i32 to vector<8x4608xi32>
    %ge3A_475 = arith.cmpi sge, %select_n3A, %ge3A_474 : vector<8x4608xi32>
    %convert_element_type3A_476 = arith.extui %ge3A_475 : vector<8x4608xi1> to vector<8x4608xi32>
    %reduce_sum3A_477 = vector.shape_cast %convert_element_type3A_476 : vector<8x4608xi32> to vector<1x8x4608xi32>
    %reduce_sum3A_478 = arith.constant dense<0> : vector<1xi32>
    %reduce_sum3A_479 = vector.multi_reduction <add>, %reduce_sum3A_477, %reduce_sum3A_478 [1, 2] : vector<1x8x4608xi32> to vector<1xi32>
    %reduce_sum3A_480 = vector.shape_cast %reduce_sum3A_479 : vector<1xi32> to vector<1x1x1xi32>
    %reduce_sum3A_481 = vector.extract %reduce_sum3A_480[0, 0, 0] : i32 from vector<1x1x1xi32>
    %ge3A_482 = arith.constant 6000 : i32
    %ge3A_483 = arith.cmpi sge, %reduce_sum3A_481, %ge3A_482 : i32
    %select_n3A_484 = arith.select %ge3A_483, %or3A_471, %select_n3A_469 : i32
    %or3A_485 = arith.constant 64 : i32
    %or3A_486 = arith.ori %select_n3A_484, %or3A_485 : i32
    %xor3A_487 = arith.constant -2147483648 : i32
    %xor3A_488 = arith.xori %or3A_486, %xor3A_487 : i32
    %ge3A_489 = vector.broadcast %xor3A_488 : i32 to vector<8x4608xi32>
    %ge3A_490 = arith.cmpi sge, %select_n3A, %ge3A_489 : vector<8x4608xi32>
    %convert_element_type3A_491 = arith.extui %ge3A_490 : vector<8x4608xi1> to vector<8x4608xi32>
    %reduce_sum3A_492 = vector.shape_cast %convert_element_type3A_491 : vector<8x4608xi32> to vector<1x8x4608xi32>
    %reduce_sum3A_493 = arith.constant dense<0> : vector<1xi32>
    %reduce_sum3A_494 = vector.multi_reduction <add>, %reduce_sum3A_492, %reduce_sum3A_493 [1, 2] : vector<1x8x4608xi32> to vector<1xi32>
    %reduce_sum3A_495 = vector.shape_cast %reduce_sum3A_494 : vector<1xi32> to vector<1x1x1xi32>
    %reduce_sum3A_496 = vector.extract %reduce_sum3A_495[0, 0, 0] : i32 from vector<1x1x1xi32>
    %ge3A_497 = arith.constant 6000 : i32
    %ge3A_498 = arith.cmpi sge, %reduce_sum3A_496, %ge3A_497 : i32
    %select_n3A_499 = arith.select %ge3A_498, %or3A_486, %select_n3A_484 : i32
    %or3A_500 = arith.constant 32 : i32
    %or3A_501 = arith.ori %select_n3A_499, %or3A_500 : i32
    %xor3A_502 = arith.constant -2147483648 : i32
    %xor3A_503 = arith.xori %or3A_501, %xor3A_502 : i32
    %ge3A_504 = vector.broadcast %xor3A_503 : i32 to vector<8x4608xi32>
    %ge3A_505 = arith.cmpi sge, %select_n3A, %ge3A_504 : vector<8x4608xi32>
    %convert_element_type3A_506 = arith.extui %ge3A_505 : vector<8x4608xi1> to vector<8x4608xi32>
    %reduce_sum3A_507 = vector.shape_cast %convert_element_type3A_506 : vector<8x4608xi32> to vector<1x8x4608xi32>
    %reduce_sum3A_508 = arith.constant dense<0> : vector<1xi32>
    %reduce_sum3A_509 = vector.multi_reduction <add>, %reduce_sum3A_507, %reduce_sum3A_508 [1, 2] : vector<1x8x4608xi32> to vector<1xi32>
    %reduce_sum3A_510 = vector.shape_cast %reduce_sum3A_509 : vector<1xi32> to vector<1x1x1xi32>
    %reduce_sum3A_511 = vector.extract %reduce_sum3A_510[0, 0, 0] : i32 from vector<1x1x1xi32>
    %ge3A_512 = arith.constant 6000 : i32
    %ge3A_513 = arith.cmpi sge, %reduce_sum3A_511, %ge3A_512 : i32
    %select_n3A_514 = arith.select %ge3A_513, %or3A_501, %select_n3A_499 : i32
    %or3A_515 = arith.constant 16 : i32
    %or3A_516 = arith.ori %select_n3A_514, %or3A_515 : i32
    %xor3A_517 = arith.constant -2147483648 : i32
    %xor3A_518 = arith.xori %or3A_516, %xor3A_517 : i32
    %ge3A_519 = vector.broadcast %xor3A_518 : i32 to vector<8x4608xi32>
    %ge3A_520 = arith.cmpi sge, %select_n3A, %ge3A_519 : vector<8x4608xi32>
    %convert_element_type3A_521 = arith.extui %ge3A_520 : vector<8x4608xi1> to vector<8x4608xi32>
    %reduce_sum3A_522 = vector.shape_cast %convert_element_type3A_521 : vector<8x4608xi32> to vector<1x8x4608xi32>
    %reduce_sum3A_523 = arith.constant dense<0> : vector<1xi32>
    %reduce_sum3A_524 = vector.multi_reduction <add>, %reduce_sum3A_522, %reduce_sum3A_523 [1, 2] : vector<1x8x4608xi32> to vector<1xi32>
    %reduce_sum3A_525 = vector.shape_cast %reduce_sum3A_524 : vector<1xi32> to vector<1x1x1xi32>
    %reduce_sum3A_526 = vector.extract %reduce_sum3A_525[0, 0, 0] : i32 from vector<1x1x1xi32>
    %ge3A_527 = arith.constant 6000 : i32
    %ge3A_528 = arith.cmpi sge, %reduce_sum3A_526, %ge3A_527 : i32
    %select_n3A_529 = arith.select %ge3A_528, %or3A_516, %select_n3A_514 : i32
    %or3A_530 = arith.constant 8 : i32
    %or3A_531 = arith.ori %select_n3A_529, %or3A_530 : i32
    %xor3A_532 = arith.constant -2147483648 : i32
    %xor3A_533 = arith.xori %or3A_531, %xor3A_532 : i32
    %ge3A_534 = vector.broadcast %xor3A_533 : i32 to vector<8x4608xi32>
    %ge3A_535 = arith.cmpi sge, %select_n3A, %ge3A_534 : vector<8x4608xi32>
    %convert_element_type3A_536 = arith.extui %ge3A_535 : vector<8x4608xi1> to vector<8x4608xi32>
    %reduce_sum3A_537 = vector.shape_cast %convert_element_type3A_536 : vector<8x4608xi32> to vector<1x8x4608xi32>
    %reduce_sum3A_538 = arith.constant dense<0> : vector<1xi32>
    %reduce_sum3A_539 = vector.multi_reduction <add>, %reduce_sum3A_537, %reduce_sum3A_538 [1, 2] : vector<1x8x4608xi32> to vector<1xi32>
    %reduce_sum3A_540 = vector.shape_cast %reduce_sum3A_539 : vector<1xi32> to vector<1x1x1xi32>
    %reduce_sum3A_541 = vector.extract %reduce_sum3A_540[0, 0, 0] : i32 from vector<1x1x1xi32>
    %ge3A_542 = arith.constant 6000 : i32
    %ge3A_543 = arith.cmpi sge, %reduce_sum3A_541, %ge3A_542 : i32
    %select_n3A_544 = arith.select %ge3A_543, %or3A_531, %select_n3A_529 : i32
    %or3A_545 = arith.constant 4 : i32
    %or3A_546 = arith.ori %select_n3A_544, %or3A_545 : i32
    %xor3A_547 = arith.constant -2147483648 : i32
    %xor3A_548 = arith.xori %or3A_546, %xor3A_547 : i32
    %ge3A_549 = vector.broadcast %xor3A_548 : i32 to vector<8x4608xi32>
    %ge3A_550 = arith.cmpi sge, %select_n3A, %ge3A_549 : vector<8x4608xi32>
    %convert_element_type3A_551 = arith.extui %ge3A_550 : vector<8x4608xi1> to vector<8x4608xi32>
    %reduce_sum3A_552 = vector.shape_cast %convert_element_type3A_551 : vector<8x4608xi32> to vector<1x8x4608xi32>
    %reduce_sum3A_553 = arith.constant dense<0> : vector<1xi32>
    %reduce_sum3A_554 = vector.multi_reduction <add>, %reduce_sum3A_552, %reduce_sum3A_553 [1, 2] : vector<1x8x4608xi32> to vector<1xi32>
    %reduce_sum3A_555 = vector.shape_cast %reduce_sum3A_554 : vector<1xi32> to vector<1x1x1xi32>
    %reduce_sum3A_556 = vector.extract %reduce_sum3A_555[0, 0, 0] : i32 from vector<1x1x1xi32>
    %ge3A_557 = arith.constant 6000 : i32
    %ge3A_558 = arith.cmpi sge, %reduce_sum3A_556, %ge3A_557 : i32
    %select_n3A_559 = arith.select %ge3A_558, %or3A_546, %select_n3A_544 : i32
    %or3A_560 = arith.constant 2 : i32
    %or3A_561 = arith.ori %select_n3A_559, %or3A_560 : i32
    %xor3A_562 = arith.constant -2147483648 : i32
    %xor3A_563 = arith.xori %or3A_561, %xor3A_562 : i32
    %ge3A_564 = vector.broadcast %xor3A_563 : i32 to vector<8x4608xi32>
    %ge3A_565 = arith.cmpi sge, %select_n3A, %ge3A_564 : vector<8x4608xi32>
    %convert_element_type3A_566 = arith.extui %ge3A_565 : vector<8x4608xi1> to vector<8x4608xi32>
    %reduce_sum3A_567 = vector.shape_cast %convert_element_type3A_566 : vector<8x4608xi32> to vector<1x8x4608xi32>
    %reduce_sum3A_568 = arith.constant dense<0> : vector<1xi32>
    %reduce_sum3A_569 = vector.multi_reduction <add>, %reduce_sum3A_567, %reduce_sum3A_568 [1, 2] : vector<1x8x4608xi32> to vector<1xi32>
    %reduce_sum3A_570 = vector.shape_cast %reduce_sum3A_569 : vector<1xi32> to vector<1x1x1xi32>
    %reduce_sum3A_571 = vector.extract %reduce_sum3A_570[0, 0, 0] : i32 from vector<1x1x1xi32>
    %ge3A_572 = arith.constant 6000 : i32
    %ge3A_573 = arith.cmpi sge, %reduce_sum3A_571, %ge3A_572 : i32
    %select_n3A_574 = arith.select %ge3A_573, %or3A_561, %select_n3A_559 : i32
    %or3A_575 = arith.constant 1 : i32
    %or3A_576 = arith.ori %select_n3A_574, %or3A_575 : i32
    %xor3A_577 = arith.constant -2147483648 : i32
    %xor3A_578 = arith.xori %or3A_576, %xor3A_577 : i32
    %ge3A_579 = vector.broadcast %xor3A_578 : i32 to vector<8x4608xi32>
    %ge3A_580 = arith.cmpi sge, %select_n3A, %ge3A_579 : vector<8x4608xi32>
    %convert_element_type3A_581 = arith.extui %ge3A_580 : vector<8x4608xi1> to vector<8x4608xi32>
    %reduce_sum3A_582 = vector.shape_cast %convert_element_type3A_581 : vector<8x4608xi32> to vector<1x8x4608xi32>
    %reduce_sum3A_583 = arith.constant dense<0> : vector<1xi32>
    %reduce_sum3A_584 = vector.multi_reduction <add>, %reduce_sum3A_582, %reduce_sum3A_583 [1, 2] : vector<1x8x4608xi32> to vector<1xi32>
    %reduce_sum3A_585 = vector.shape_cast %reduce_sum3A_584 : vector<1xi32> to vector<1x1x1xi32>
    %reduce_sum3A_586 = vector.extract %reduce_sum3A_585[0, 0, 0] : i32 from vector<1x1x1xi32>
    %ge3A_587 = arith.constant 6000 : i32
    %ge3A_588 = arith.cmpi sge, %reduce_sum3A_586, %ge3A_587 : i32
    %select_n3A_589 = arith.select %ge3A_588, %or3A_576, %select_n3A_574 : i32
    %xor3A_590 = arith.constant -2147483648 : i32
    %xor3A_591 = arith.xori %select_n3A_589, %xor3A_590 : i32
    %iota3A = tpu.iota {dimensions = array<i32: 0>} : vector<8x4608xi32>
    %iota3A_592 = tpu.iota {dimensions = array<i32: 1>} : vector<8x4608xi32>
    %mul3A_593 = arith.constant 4608 : i32
    %mul3A_594 = vector.broadcast %mul3A_593 : i32 to vector<8x4608xi32>
    %mul3A_595 = arith.muli %iota3A, %mul3A_594 : vector<8x4608xi32>
    %add3A_596 = arith.addi %mul3A_595, %iota3A_592 : vector<8x4608xi32>
    %gt3A = vector.broadcast %xor3A_591 : i32 to vector<8x4608xi32>
    %gt3A_597 = arith.cmpi sgt, %select_n3A, %gt3A : vector<8x4608xi32>
    %convert_element_type3A_598 = arith.extui %gt3A_597 : vector<8x4608xi1> to vector<8x4608xi32>
    %reduce_sum3A_599 = vector.shape_cast %convert_element_type3A_598 : vector<8x4608xi32> to vector<1x8x4608xi32>
    %reduce_sum3A_600 = arith.constant dense<0> : vector<1xi32>
    %reduce_sum3A_601 = vector.multi_reduction <add>, %reduce_sum3A_599, %reduce_sum3A_600 [1, 2] : vector<1x8x4608xi32> to vector<1xi32>
    %reduce_sum3A_602 = vector.shape_cast %reduce_sum3A_601 : vector<1xi32> to vector<1x1x1xi32>
    %reduce_sum3A_603 = vector.extract %reduce_sum3A_602[0, 0, 0] : i32 from vector<1x1x1xi32>
    %sub3A_604 = arith.constant 6000 : i32
    %sub3A_605 = arith.subi %sub3A_604, %reduce_sum3A_603 : i32
    %eq3A = vector.broadcast %xor3A_591 : i32 to vector<8x4608xi32>
    %eq3A_606 = arith.cmpi eq, %select_n3A, %eq3A : vector<8x4608xi32>
    %or3A_607 = arith.constant 0 : i32
    %or3A_608 = arith.constant 65536 : i32
    %or3A_609 = arith.ori %or3A_607, %or3A_608 : i32
    %lt3A_610 = vector.broadcast %or3A_609 : i32 to vector<8x4608xi32>
    %lt3A_611 = arith.cmpi slt, %add3A_596, %lt3A_610 : vector<8x4608xi32>
    %and3A = arith.andi %eq3A_606, %lt3A_611 : vector<8x4608xi1>
    %convert_element_type3A_612 = arith.extui %and3A : vector<8x4608xi1> to vector<8x4608xi32>
    %reduce_sum3A_613 = vector.shape_cast %convert_element_type3A_612 : vector<8x4608xi32> to vector<1x8x4608xi32>
    %reduce_sum3A_614 = arith.constant dense<0> : vector<1xi32>
    %reduce_sum3A_615 = vector.multi_reduction <add>, %reduce_sum3A_613, %reduce_sum3A_614 [1, 2] : vector<1x8x4608xi32> to vector<1xi32>
    %reduce_sum3A_616 = vector.shape_cast %reduce_sum3A_615 : vector<1xi32> to vector<1x1x1xi32>
    %reduce_sum3A_617 = vector.extract %reduce_sum3A_616[0, 0, 0] : i32 from vector<1x1x1xi32>
    %le3A = arith.cmpi sle, %reduce_sum3A_617, %sub3A_605 : i32
    %jit3A_618 = arith.constant 0 : i32
    %select_n3A_619 = arith.select %le3A, %or3A_609, %jit3A_618 : i32
    %or3A_620 = arith.constant 32768 : i32
    %or3A_621 = arith.ori %select_n3A_619, %or3A_620 : i32
    %lt3A_622 = vector.broadcast %or3A_621 : i32 to vector<8x4608xi32>
    %lt3A_623 = arith.cmpi slt, %add3A_596, %lt3A_622 : vector<8x4608xi32>
    %and3A_624 = arith.andi %eq3A_606, %lt3A_623 : vector<8x4608xi1>
    %convert_element_type3A_625 = arith.extui %and3A_624 : vector<8x4608xi1> to vector<8x4608xi32>
    %reduce_sum3A_626 = vector.shape_cast %convert_element_type3A_625 : vector<8x4608xi32> to vector<1x8x4608xi32>
    %reduce_sum3A_627 = arith.constant dense<0> : vector<1xi32>
    %reduce_sum3A_628 = vector.multi_reduction <add>, %reduce_sum3A_626, %reduce_sum3A_627 [1, 2] : vector<1x8x4608xi32> to vector<1xi32>
    %reduce_sum3A_629 = vector.shape_cast %reduce_sum3A_628 : vector<1xi32> to vector<1x1x1xi32>
    %reduce_sum3A_630 = vector.extract %reduce_sum3A_629[0, 0, 0] : i32 from vector<1x1x1xi32>
    %le3A_631 = arith.cmpi sle, %reduce_sum3A_630, %sub3A_605 : i32
    %select_n3A_632 = arith.select %le3A_631, %or3A_621, %select_n3A_619 : i32
    %or3A_633 = arith.constant 16384 : i32
    %or3A_634 = arith.ori %select_n3A_632, %or3A_633 : i32
    %lt3A_635 = vector.broadcast %or3A_634 : i32 to vector<8x4608xi32>
    %lt3A_636 = arith.cmpi slt, %add3A_596, %lt3A_635 : vector<8x4608xi32>
    %and3A_637 = arith.andi %eq3A_606, %lt3A_636 : vector<8x4608xi1>
    %convert_element_type3A_638 = arith.extui %and3A_637 : vector<8x4608xi1> to vector<8x4608xi32>
    %reduce_sum3A_639 = vector.shape_cast %convert_element_type3A_638 : vector<8x4608xi32> to vector<1x8x4608xi32>
    %reduce_sum3A_640 = arith.constant dense<0> : vector<1xi32>
    %reduce_sum3A_641 = vector.multi_reduction <add>, %reduce_sum3A_639, %reduce_sum3A_640 [1, 2] : vector<1x8x4608xi32> to vector<1xi32>
    %reduce_sum3A_642 = vector.shape_cast %reduce_sum3A_641 : vector<1xi32> to vector<1x1x1xi32>
    %reduce_sum3A_643 = vector.extract %reduce_sum3A_642[0, 0, 0] : i32 from vector<1x1x1xi32>
    %le3A_644 = arith.cmpi sle, %reduce_sum3A_643, %sub3A_605 : i32
    %select_n3A_645 = arith.select %le3A_644, %or3A_634, %select_n3A_632 : i32
    %or3A_646 = arith.constant 8192 : i32
    %or3A_647 = arith.ori %select_n3A_645, %or3A_646 : i32
    %lt3A_648 = vector.broadcast %or3A_647 : i32 to vector<8x4608xi32>
    %lt3A_649 = arith.cmpi slt, %add3A_596, %lt3A_648 : vector<8x4608xi32>
    %and3A_650 = arith.andi %eq3A_606, %lt3A_649 : vector<8x4608xi1>
    %convert_element_type3A_651 = arith.extui %and3A_650 : vector<8x4608xi1> to vector<8x4608xi32>
    %reduce_sum3A_652 = vector.shape_cast %convert_element_type3A_651 : vector<8x4608xi32> to vector<1x8x4608xi32>
    %reduce_sum3A_653 = arith.constant dense<0> : vector<1xi32>
    %reduce_sum3A_654 = vector.multi_reduction <add>, %reduce_sum3A_652, %reduce_sum3A_653 [1, 2] : vector<1x8x4608xi32> to vector<1xi32>
    %reduce_sum3A_655 = vector.shape_cast %reduce_sum3A_654 : vector<1xi32> to vector<1x1x1xi32>
    %reduce_sum3A_656 = vector.extract %reduce_sum3A_655[0, 0, 0] : i32 from vector<1x1x1xi32>
    %le3A_657 = arith.cmpi sle, %reduce_sum3A_656, %sub3A_605 : i32
    %select_n3A_658 = arith.select %le3A_657, %or3A_647, %select_n3A_645 : i32
    %or3A_659 = arith.constant 4096 : i32
    %or3A_660 = arith.ori %select_n3A_658, %or3A_659 : i32
    %lt3A_661 = vector.broadcast %or3A_660 : i32 to vector<8x4608xi32>
    %lt3A_662 = arith.cmpi slt, %add3A_596, %lt3A_661 : vector<8x4608xi32>
    %and3A_663 = arith.andi %eq3A_606, %lt3A_662 : vector<8x4608xi1>
    %convert_element_type3A_664 = arith.extui %and3A_663 : vector<8x4608xi1> to vector<8x4608xi32>
    %reduce_sum3A_665 = vector.shape_cast %convert_element_type3A_664 : vector<8x4608xi32> to vector<1x8x4608xi32>
    %reduce_sum3A_666 = arith.constant dense<0> : vector<1xi32>
    %reduce_sum3A_667 = vector.multi_reduction <add>, %reduce_sum3A_665, %reduce_sum3A_666 [1, 2] : vector<1x8x4608xi32> to vector<1xi32>
    %reduce_sum3A_668 = vector.shape_cast %reduce_sum3A_667 : vector<1xi32> to vector<1x1x1xi32>
    %reduce_sum3A_669 = vector.extract %reduce_sum3A_668[0, 0, 0] : i32 from vector<1x1x1xi32>
    %le3A_670 = arith.cmpi sle, %reduce_sum3A_669, %sub3A_605 : i32
    %select_n3A_671 = arith.select %le3A_670, %or3A_660, %select_n3A_658 : i32
    %or3A_672 = arith.constant 2048 : i32
    %or3A_673 = arith.ori %select_n3A_671, %or3A_672 : i32
    %lt3A_674 = vector.broadcast %or3A_673 : i32 to vector<8x4608xi32>
    %lt3A_675 = arith.cmpi slt, %add3A_596, %lt3A_674 : vector<8x4608xi32>
    %and3A_676 = arith.andi %eq3A_606, %lt3A_675 : vector<8x4608xi1>
    %convert_element_type3A_677 = arith.extui %and3A_676 : vector<8x4608xi1> to vector<8x4608xi32>
    %reduce_sum3A_678 = vector.shape_cast %convert_element_type3A_677 : vector<8x4608xi32> to vector<1x8x4608xi32>
    %reduce_sum3A_679 = arith.constant dense<0> : vector<1xi32>
    %reduce_sum3A_680 = vector.multi_reduction <add>, %reduce_sum3A_678, %reduce_sum3A_679 [1, 2] : vector<1x8x4608xi32> to vector<1xi32>
    %reduce_sum3A_681 = vector.shape_cast %reduce_sum3A_680 : vector<1xi32> to vector<1x1x1xi32>
    %reduce_sum3A_682 = vector.extract %reduce_sum3A_681[0, 0, 0] : i32 from vector<1x1x1xi32>
    %le3A_683 = arith.cmpi sle, %reduce_sum3A_682, %sub3A_605 : i32
    %select_n3A_684 = arith.select %le3A_683, %or3A_673, %select_n3A_671 : i32
    %or3A_685 = arith.constant 1024 : i32
    %or3A_686 = arith.ori %select_n3A_684, %or3A_685 : i32
    %lt3A_687 = vector.broadcast %or3A_686 : i32 to vector<8x4608xi32>
    %lt3A_688 = arith.cmpi slt, %add3A_596, %lt3A_687 : vector<8x4608xi32>
    %and3A_689 = arith.andi %eq3A_606, %lt3A_688 : vector<8x4608xi1>
    %convert_element_type3A_690 = arith.extui %and3A_689 : vector<8x4608xi1> to vector<8x4608xi32>
    %reduce_sum3A_691 = vector.shape_cast %convert_element_type3A_690 : vector<8x4608xi32> to vector<1x8x4608xi32>
    %reduce_sum3A_692 = arith.constant dense<0> : vector<1xi32>
    %reduce_sum3A_693 = vector.multi_reduction <add>, %reduce_sum3A_691, %reduce_sum3A_692 [1, 2] : vector<1x8x4608xi32> to vector<1xi32>
    %reduce_sum3A_694 = vector.shape_cast %reduce_sum3A_693 : vector<1xi32> to vector<1x1x1xi32>
    %reduce_sum3A_695 = vector.extract %reduce_sum3A_694[0, 0, 0] : i32 from vector<1x1x1xi32>
    %le3A_696 = arith.cmpi sle, %reduce_sum3A_695, %sub3A_605 : i32
    %select_n3A_697 = arith.select %le3A_696, %or3A_686, %select_n3A_684 : i32
    %or3A_698 = arith.constant 512 : i32
    %or3A_699 = arith.ori %select_n3A_697, %or3A_698 : i32
    %lt3A_700 = vector.broadcast %or3A_699 : i32 to vector<8x4608xi32>
    %lt3A_701 = arith.cmpi slt, %add3A_596, %lt3A_700 : vector<8x4608xi32>
    %and3A_702 = arith.andi %eq3A_606, %lt3A_701 : vector<8x4608xi1>
    %convert_element_type3A_703 = arith.extui %and3A_702 : vector<8x4608xi1> to vector<8x4608xi32>
    %reduce_sum3A_704 = vector.shape_cast %convert_element_type3A_703 : vector<8x4608xi32> to vector<1x8x4608xi32>
    %reduce_sum3A_705 = arith.constant dense<0> : vector<1xi32>
    %reduce_sum3A_706 = vector.multi_reduction <add>, %reduce_sum3A_704, %reduce_sum3A_705 [1, 2] : vector<1x8x4608xi32> to vector<1xi32>
    %reduce_sum3A_707 = vector.shape_cast %reduce_sum3A_706 : vector<1xi32> to vector<1x1x1xi32>
    %reduce_sum3A_708 = vector.extract %reduce_sum3A_707[0, 0, 0] : i32 from vector<1x1x1xi32>
    %le3A_709 = arith.cmpi sle, %reduce_sum3A_708, %sub3A_605 : i32
    %select_n3A_710 = arith.select %le3A_709, %or3A_699, %select_n3A_697 : i32
    %or3A_711 = arith.constant 256 : i32
    %or3A_712 = arith.ori %select_n3A_710, %or3A_711 : i32
    %lt3A_713 = vector.broadcast %or3A_712 : i32 to vector<8x4608xi32>
    %lt3A_714 = arith.cmpi slt, %add3A_596, %lt3A_713 : vector<8x4608xi32>
    %and3A_715 = arith.andi %eq3A_606, %lt3A_714 : vector<8x4608xi1>
    %convert_element_type3A_716 = arith.extui %and3A_715 : vector<8x4608xi1> to vector<8x4608xi32>
    %reduce_sum3A_717 = vector.shape_cast %convert_element_type3A_716 : vector<8x4608xi32> to vector<1x8x4608xi32>
    %reduce_sum3A_718 = arith.constant dense<0> : vector<1xi32>
    %reduce_sum3A_719 = vector.multi_reduction <add>, %reduce_sum3A_717, %reduce_sum3A_718 [1, 2] : vector<1x8x4608xi32> to vector<1xi32>
    %reduce_sum3A_720 = vector.shape_cast %reduce_sum3A_719 : vector<1xi32> to vector<1x1x1xi32>
    %reduce_sum3A_721 = vector.extract %reduce_sum3A_720[0, 0, 0] : i32 from vector<1x1x1xi32>
    %le3A_722 = arith.cmpi sle, %reduce_sum3A_721, %sub3A_605 : i32
    %select_n3A_723 = arith.select %le3A_722, %or3A_712, %select_n3A_710 : i32
    %or3A_724 = arith.constant 128 : i32
    %or3A_725 = arith.ori %select_n3A_723, %or3A_724 : i32
    %lt3A_726 = vector.broadcast %or3A_725 : i32 to vector<8x4608xi32>
    %lt3A_727 = arith.cmpi slt, %add3A_596, %lt3A_726 : vector<8x4608xi32>
    %and3A_728 = arith.andi %eq3A_606, %lt3A_727 : vector<8x4608xi1>
    %convert_element_type3A_729 = arith.extui %and3A_728 : vector<8x4608xi1> to vector<8x4608xi32>
    %reduce_sum3A_730 = vector.shape_cast %convert_element_type3A_729 : vector<8x4608xi32> to vector<1x8x4608xi32>
    %reduce_sum3A_731 = arith.constant dense<0> : vector<1xi32>
    %reduce_sum3A_732 = vector.multi_reduction <add>, %reduce_sum3A_730, %reduce_sum3A_731 [1, 2] : vector<1x8x4608xi32> to vector<1xi32>
    %reduce_sum3A_733 = vector.shape_cast %reduce_sum3A_732 : vector<1xi32> to vector<1x1x1xi32>
    %reduce_sum3A_734 = vector.extract %reduce_sum3A_733[0, 0, 0] : i32 from vector<1x1x1xi32>
    %le3A_735 = arith.cmpi sle, %reduce_sum3A_734, %sub3A_605 : i32
    %select_n3A_736 = arith.select %le3A_735, %or3A_725, %select_n3A_723 : i32
    %or3A_737 = arith.constant 64 : i32
    %or3A_738 = arith.ori %select_n3A_736, %or3A_737 : i32
    %lt3A_739 = vector.broadcast %or3A_738 : i32 to vector<8x4608xi32>
    %lt3A_740 = arith.cmpi slt, %add3A_596, %lt3A_739 : vector<8x4608xi32>
    %and3A_741 = arith.andi %eq3A_606, %lt3A_740 : vector<8x4608xi1>
    %convert_element_type3A_742 = arith.extui %and3A_741 : vector<8x4608xi1> to vector<8x4608xi32>
    %reduce_sum3A_743 = vector.shape_cast %convert_element_type3A_742 : vector<8x4608xi32> to vector<1x8x4608xi32>
    %reduce_sum3A_744 = arith.constant dense<0> : vector<1xi32>
    %reduce_sum3A_745 = vector.multi_reduction <add>, %reduce_sum3A_743, %reduce_sum3A_744 [1, 2] : vector<1x8x4608xi32> to vector<1xi32>
    %reduce_sum3A_746 = vector.shape_cast %reduce_sum3A_745 : vector<1xi32> to vector<1x1x1xi32>
    %reduce_sum3A_747 = vector.extract %reduce_sum3A_746[0, 0, 0] : i32 from vector<1x1x1xi32>
    %le3A_748 = arith.cmpi sle, %reduce_sum3A_747, %sub3A_605 : i32
    %select_n3A_749 = arith.select %le3A_748, %or3A_738, %select_n3A_736 : i32
    %or3A_750 = arith.constant 32 : i32
    %or3A_751 = arith.ori %select_n3A_749, %or3A_750 : i32
    %lt3A_752 = vector.broadcast %or3A_751 : i32 to vector<8x4608xi32>
    %lt3A_753 = arith.cmpi slt, %add3A_596, %lt3A_752 : vector<8x4608xi32>
    %and3A_754 = arith.andi %eq3A_606, %lt3A_753 : vector<8x4608xi1>
    %convert_element_type3A_755 = arith.extui %and3A_754 : vector<8x4608xi1> to vector<8x4608xi32>
    %reduce_sum3A_756 = vector.shape_cast %convert_element_type3A_755 : vector<8x4608xi32> to vector<1x8x4608xi32>
    %reduce_sum3A_757 = arith.constant dense<0> : vector<1xi32>
    %reduce_sum3A_758 = vector.multi_reduction <add>, %reduce_sum3A_756, %reduce_sum3A_757 [1, 2] : vector<1x8x4608xi32> to vector<1xi32>
    %reduce_sum3A_759 = vector.shape_cast %reduce_sum3A_758 : vector<1xi32> to vector<1x1x1xi32>
    %reduce_sum3A_760 = vector.extract %reduce_sum3A_759[0, 0, 0] : i32 from vector<1x1x1xi32>
    %le3A_761 = arith.cmpi sle, %reduce_sum3A_760, %sub3A_605 : i32
    %select_n3A_762 = arith.select %le3A_761, %or3A_751, %select_n3A_749 : i32
    %or3A_763 = arith.constant 16 : i32
    %or3A_764 = arith.ori %select_n3A_762, %or3A_763 : i32
    %lt3A_765 = vector.broadcast %or3A_764 : i32 to vector<8x4608xi32>
    %lt3A_766 = arith.cmpi slt, %add3A_596, %lt3A_765 : vector<8x4608xi32>
    %and3A_767 = arith.andi %eq3A_606, %lt3A_766 : vector<8x4608xi1>
    %convert_element_type3A_768 = arith.extui %and3A_767 : vector<8x4608xi1> to vector<8x4608xi32>
    %reduce_sum3A_769 = vector.shape_cast %convert_element_type3A_768 : vector<8x4608xi32> to vector<1x8x4608xi32>
    %reduce_sum3A_770 = arith.constant dense<0> : vector<1xi32>
    %reduce_sum3A_771 = vector.multi_reduction <add>, %reduce_sum3A_769, %reduce_sum3A_770 [1, 2] : vector<1x8x4608xi32> to vector<1xi32>
    %reduce_sum3A_772 = vector.shape_cast %reduce_sum3A_771 : vector<1xi32> to vector<1x1x1xi32>
    %reduce_sum3A_773 = vector.extract %reduce_sum3A_772[0, 0, 0] : i32 from vector<1x1x1xi32>
    %le3A_774 = arith.cmpi sle, %reduce_sum3A_773, %sub3A_605 : i32
    %select_n3A_775 = arith.select %le3A_774, %or3A_764, %select_n3A_762 : i32
    %or3A_776 = arith.constant 8 : i32
    %or3A_777 = arith.ori %select_n3A_775, %or3A_776 : i32
    %lt3A_778 = vector.broadcast %or3A_777 : i32 to vector<8x4608xi32>
    %lt3A_779 = arith.cmpi slt, %add3A_596, %lt3A_778 : vector<8x4608xi32>
    %and3A_780 = arith.andi %eq3A_606, %lt3A_779 : vector<8x4608xi1>
    %convert_element_type3A_781 = arith.extui %and3A_780 : vector<8x4608xi1> to vector<8x4608xi32>
    %reduce_sum3A_782 = vector.shape_cast %convert_element_type3A_781 : vector<8x4608xi32> to vector<1x8x4608xi32>
    %reduce_sum3A_783 = arith.constant dense<0> : vector<1xi32>
    %reduce_sum3A_784 = vector.multi_reduction <add>, %reduce_sum3A_782, %reduce_sum3A_783 [1, 2] : vector<1x8x4608xi32> to vector<1xi32>
    %reduce_sum3A_785 = vector.shape_cast %reduce_sum3A_784 : vector<1xi32> to vector<1x1x1xi32>
    %reduce_sum3A_786 = vector.extract %reduce_sum3A_785[0, 0, 0] : i32 from vector<1x1x1xi32>
    %le3A_787 = arith.cmpi sle, %reduce_sum3A_786, %sub3A_605 : i32
    %select_n3A_788 = arith.select %le3A_787, %or3A_777, %select_n3A_775 : i32
    %or3A_789 = arith.constant 4 : i32
    %or3A_790 = arith.ori %select_n3A_788, %or3A_789 : i32
    %lt3A_791 = vector.broadcast %or3A_790 : i32 to vector<8x4608xi32>
    %lt3A_792 = arith.cmpi slt, %add3A_596, %lt3A_791 : vector<8x4608xi32>
    %and3A_793 = arith.andi %eq3A_606, %lt3A_792 : vector<8x4608xi1>
    %convert_element_type3A_794 = arith.extui %and3A_793 : vector<8x4608xi1> to vector<8x4608xi32>
    %reduce_sum3A_795 = vector.shape_cast %convert_element_type3A_794 : vector<8x4608xi32> to vector<1x8x4608xi32>
    %reduce_sum3A_796 = arith.constant dense<0> : vector<1xi32>
    %reduce_sum3A_797 = vector.multi_reduction <add>, %reduce_sum3A_795, %reduce_sum3A_796 [1, 2] : vector<1x8x4608xi32> to vector<1xi32>
    %reduce_sum3A_798 = vector.shape_cast %reduce_sum3A_797 : vector<1xi32> to vector<1x1x1xi32>
    %reduce_sum3A_799 = vector.extract %reduce_sum3A_798[0, 0, 0] : i32 from vector<1x1x1xi32>
    %le3A_800 = arith.cmpi sle, %reduce_sum3A_799, %sub3A_605 : i32
    %select_n3A_801 = arith.select %le3A_800, %or3A_790, %select_n3A_788 : i32
    %or3A_802 = arith.constant 2 : i32
    %or3A_803 = arith.ori %select_n3A_801, %or3A_802 : i32
    %lt3A_804 = vector.broadcast %or3A_803 : i32 to vector<8x4608xi32>
    %lt3A_805 = arith.cmpi slt, %add3A_596, %lt3A_804 : vector<8x4608xi32>
    %and3A_806 = arith.andi %eq3A_606, %lt3A_805 : vector<8x4608xi1>
    %convert_element_type3A_807 = arith.extui %and3A_806 : vector<8x4608xi1> to vector<8x4608xi32>
    %reduce_sum3A_808 = vector.shape_cast %convert_element_type3A_807 : vector<8x4608xi32> to vector<1x8x4608xi32>
    %reduce_sum3A_809 = arith.constant dense<0> : vector<1xi32>
    %reduce_sum3A_810 = vector.multi_reduction <add>, %reduce_sum3A_808, %reduce_sum3A_809 [1, 2] : vector<1x8x4608xi32> to vector<1xi32>
    %reduce_sum3A_811 = vector.shape_cast %reduce_sum3A_810 : vector<1xi32> to vector<1x1x1xi32>
    %reduce_sum3A_812 = vector.extract %reduce_sum3A_811[0, 0, 0] : i32 from vector<1x1x1xi32>
    %le3A_813 = arith.cmpi sle, %reduce_sum3A_812, %sub3A_605 : i32
    %select_n3A_814 = arith.select %le3A_813, %or3A_803, %select_n3A_801 : i32
    %or3A_815 = arith.constant 1 : i32
    %or3A_816 = arith.ori %select_n3A_814, %or3A_815 : i32
    %lt3A_817 = vector.broadcast %or3A_816 : i32 to vector<8x4608xi32>
    %lt3A_818 = arith.cmpi slt, %add3A_596, %lt3A_817 : vector<8x4608xi32>
    %and3A_819 = arith.andi %eq3A_606, %lt3A_818 : vector<8x4608xi1>
    %convert_element_type3A_820 = arith.extui %and3A_819 : vector<8x4608xi1> to vector<8x4608xi32>
    %reduce_sum3A_821 = vector.shape_cast %convert_element_type3A_820 : vector<8x4608xi32> to vector<1x8x4608xi32>
    %reduce_sum3A_822 = arith.constant dense<0> : vector<1xi32>
    %reduce_sum3A_823 = vector.multi_reduction <add>, %reduce_sum3A_821, %reduce_sum3A_822 [1, 2] : vector<1x8x4608xi32> to vector<1xi32>
    %reduce_sum3A_824 = vector.shape_cast %reduce_sum3A_823 : vector<1xi32> to vector<1x1x1xi32>
    %reduce_sum3A_825 = vector.extract %reduce_sum3A_824[0, 0, 0] : i32 from vector<1x1x1xi32>
    %le3A_826 = arith.cmpi sle, %reduce_sum3A_825, %sub3A_605 : i32
    %select_n3A_827 = arith.select %le3A_826, %or3A_816, %select_n3A_814 : i32
    %gt3A_828 = vector.broadcast %xor3A_591 : i32 to vector<8x4608xi32>
    %gt3A_829 = arith.cmpi sgt, %select_n3A, %gt3A_828 : vector<8x4608xi32>
    %lt3A_830 = vector.broadcast %select_n3A_827 : i32 to vector<8x4608xi32>
    %lt3A_831 = arith.cmpi slt, %add3A_596, %lt3A_830 : vector<8x4608xi32>
    %and3A_832 = arith.andi %eq3A_606, %lt3A_831 : vector<8x4608xi1>
    %or3A_833 = arith.ori %gt3A_829, %and3A_832 : vector<8x4608xi1>
    %convert_element_type3A_834 = arith.extui %or3A_833 : vector<8x4608xi1> to vector<8x4608xi32>
    %broadcast_in_dim3A = arith.constant 0 : i32
    %broadcast_in_dim3A_835 = vector.broadcast %broadcast_in_dim3A : i32 to vector<8x1xi32>
    %slice3A = vector.extract_strided_slice %convert_element_type3A_834 {offsets = [0, 0], sizes = [8, 4607], strides = [1, 1]} : vector<8x4608xi32> to vector<8x4607xi32>
    %concatenate3A = tpu.concatenate %broadcast_in_dim3A_835, %slice3A in 1 : vector<8x1xi32>, vector<8x4607xi32> -> vector<8x4608xi32>
    %add3A_836 = arith.addi %convert_element_type3A_834, %concatenate3A : vector<8x4608xi32>
    %broadcast_in_dim3A_837 = arith.constant 0 : i32
    %broadcast_in_dim3A_838 = vector.broadcast %broadcast_in_dim3A_837 : i32 to vector<8x2xi32>
    %slice3A_839 = vector.extract_strided_slice %add3A_836 {offsets = [0, 0], sizes = [8, 4606], strides = [1, 1]} : vector<8x4608xi32> to vector<8x4606xi32>
    %concatenate3A_840 = tpu.concatenate %broadcast_in_dim3A_838, %slice3A_839 in 1 : vector<8x2xi32>, vector<8x4606xi32> -> vector<8x4608xi32>
    %add3A_841 = arith.addi %add3A_836, %concatenate3A_840 : vector<8x4608xi32>
    %broadcast_in_dim3A_842 = arith.constant 0 : i32
    %broadcast_in_dim3A_843 = vector.broadcast %broadcast_in_dim3A_842 : i32 to vector<8x4xi32>
    %slice3A_844 = vector.extract_strided_slice %add3A_841 {offsets = [0, 0], sizes = [8, 4604], strides = [1, 1]} : vector<8x4608xi32> to vector<8x4604xi32>
    %concatenate3A_845 = tpu.concatenate %broadcast_in_dim3A_843, %slice3A_844 in 1 : vector<8x4xi32>, vector<8x4604xi32> -> vector<8x4608xi32>
    %add3A_846 = arith.addi %add3A_841, %concatenate3A_845 : vector<8x4608xi32>
    %broadcast_in_dim3A_847 = arith.constant 0 : i32
    %broadcast_in_dim3A_848 = vector.broadcast %broadcast_in_dim3A_847 : i32 to vector<8x8xi32>
    %slice3A_849 = vector.extract_strided_slice %add3A_846 {offsets = [0, 0], sizes = [8, 4600], strides = [1, 1]} : vector<8x4608xi32> to vector<8x4600xi32>
    %concatenate3A_850 = tpu.concatenate %broadcast_in_dim3A_848, %slice3A_849 in 1 : vector<8x8xi32>, vector<8x4600xi32> -> vector<8x4608xi32>
    %add3A_851 = arith.addi %add3A_846, %concatenate3A_850 : vector<8x4608xi32>
    %broadcast_in_dim3A_852 = arith.constant 0 : i32
    %broadcast_in_dim3A_853 = vector.broadcast %broadcast_in_dim3A_852 : i32 to vector<8x16xi32>
    %slice3A_854 = vector.extract_strided_slice %add3A_851 {offsets = [0, 0], sizes = [8, 4592], strides = [1, 1]} : vector<8x4608xi32> to vector<8x4592xi32>
    %concatenate3A_855 = tpu.concatenate %broadcast_in_dim3A_853, %slice3A_854 in 1 : vector<8x16xi32>, vector<8x4592xi32> -> vector<8x4608xi32>
    %add3A_856 = arith.addi %add3A_851, %concatenate3A_855 : vector<8x4608xi32>
    %broadcast_in_dim3A_857 = arith.constant 0 : i32
    %broadcast_in_dim3A_858 = vector.broadcast %broadcast_in_dim3A_857 : i32 to vector<8x32xi32>
    %slice3A_859 = vector.extract_strided_slice %add3A_856 {offsets = [0, 0], sizes = [8, 4576], strides = [1, 1]} : vector<8x4608xi32> to vector<8x4576xi32>
    %concatenate3A_860 = tpu.concatenate %broadcast_in_dim3A_858, %slice3A_859 in 1 : vector<8x32xi32>, vector<8x4576xi32> -> vector<8x4608xi32>
    %add3A_861 = arith.addi %add3A_856, %concatenate3A_860 : vector<8x4608xi32>
    %broadcast_in_dim3A_862 = arith.constant 0 : i32
    %broadcast_in_dim3A_863 = vector.broadcast %broadcast_in_dim3A_862 : i32 to vector<8x64xi32>
    %slice3A_864 = vector.extract_strided_slice %add3A_861 {offsets = [0, 0], sizes = [8, 4544], strides = [1, 1]} : vector<8x4608xi32> to vector<8x4544xi32>
    %concatenate3A_865 = tpu.concatenate %broadcast_in_dim3A_863, %slice3A_864 in 1 : vector<8x64xi32>, vector<8x4544xi32> -> vector<8x4608xi32>
    %add3A_866 = arith.addi %add3A_861, %concatenate3A_865 : vector<8x4608xi32>
    %broadcast_in_dim3A_867 = arith.constant 0 : i32
    %broadcast_in_dim3A_868 = vector.broadcast %broadcast_in_dim3A_867 : i32 to vector<8x128xi32>
    %slice3A_869 = vector.extract_strided_slice %add3A_866 {offsets = [0, 0], sizes = [8, 4480], strides = [1, 1]} : vector<8x4608xi32> to vector<8x4480xi32>
    %concatenate3A_870 = tpu.concatenate %broadcast_in_dim3A_868, %slice3A_869 in 1 : vector<8x128xi32>, vector<8x4480xi32> -> vector<8x4608xi32>
    %add3A_871 = arith.addi %add3A_866, %concatenate3A_870 : vector<8x4608xi32>
    %broadcast_in_dim3A_872 = arith.constant 0 : i32
    %broadcast_in_dim3A_873 = vector.broadcast %broadcast_in_dim3A_872 : i32 to vector<8x256xi32>
    %slice3A_874 = vector.extract_strided_slice %add3A_871 {offsets = [0, 0], sizes = [8, 4352], strides = [1, 1]} : vector<8x4608xi32> to vector<8x4352xi32>
    %concatenate3A_875 = tpu.concatenate %broadcast_in_dim3A_873, %slice3A_874 in 1 : vector<8x256xi32>, vector<8x4352xi32> -> vector<8x4608xi32>
    %add3A_876 = arith.addi %add3A_871, %concatenate3A_875 : vector<8x4608xi32>
    %broadcast_in_dim3A_877 = arith.constant 0 : i32
    %broadcast_in_dim3A_878 = vector.broadcast %broadcast_in_dim3A_877 : i32 to vector<8x512xi32>
    %slice3A_879 = vector.extract_strided_slice %add3A_876 {offsets = [0, 0], sizes = [8, 4096], strides = [1, 1]} : vector<8x4608xi32> to vector<8x4096xi32>
    %concatenate3A_880 = tpu.concatenate %broadcast_in_dim3A_878, %slice3A_879 in 1 : vector<8x512xi32>, vector<8x4096xi32> -> vector<8x4608xi32>
    %add3A_881 = arith.addi %add3A_876, %concatenate3A_880 : vector<8x4608xi32>
    %broadcast_in_dim3A_882 = arith.constant 0 : i32
    %broadcast_in_dim3A_883 = vector.broadcast %broadcast_in_dim3A_882 : i32 to vector<8x1024xi32>
    %slice3A_884 = vector.extract_strided_slice %add3A_881 {offsets = [0, 0], sizes = [8, 3584], strides = [1, 1]} : vector<8x4608xi32> to vector<8x3584xi32>
    %concatenate3A_885 = tpu.concatenate %broadcast_in_dim3A_883, %slice3A_884 in 1 : vector<8x1024xi32>, vector<8x3584xi32> -> vector<8x4608xi32>
    %add3A_886 = arith.addi %add3A_881, %concatenate3A_885 : vector<8x4608xi32>
    %broadcast_in_dim3A_887 = arith.constant 0 : i32
    %broadcast_in_dim3A_888 = vector.broadcast %broadcast_in_dim3A_887 : i32 to vector<8x2048xi32>
    %slice3A_889 = vector.extract_strided_slice %add3A_886 {offsets = [0, 0], sizes = [8, 2560], strides = [1, 1]} : vector<8x4608xi32> to vector<8x2560xi32>
    %concatenate3A_890 = tpu.concatenate %broadcast_in_dim3A_888, %slice3A_889 in 1 : vector<8x2048xi32>, vector<8x2560xi32> -> vector<8x4608xi32>
    %add3A_891 = arith.addi %add3A_886, %concatenate3A_890 : vector<8x4608xi32>
    %broadcast_in_dim3A_892 = arith.constant 0 : i32
    %broadcast_in_dim3A_893 = vector.broadcast %broadcast_in_dim3A_892 : i32 to vector<8x4096xi32>
    %slice3A_894 = vector.extract_strided_slice %add3A_891 {offsets = [0, 0], sizes = [8, 512], strides = [1, 1]} : vector<8x4608xi32> to vector<8x512xi32>
    %concatenate3A_895 = tpu.concatenate %broadcast_in_dim3A_893, %slice3A_894 in 1 : vector<8x4096xi32>, vector<8x512xi32> -> vector<8x4608xi32>
    %add3A_896 = arith.addi %add3A_891, %concatenate3A_895 : vector<8x4608xi32>
    %slice3A_897 = vector.extract_strided_slice %add3A_896 {offsets = [0, 4607], sizes = [8, 1], strides = [1, 1]} : vector<8x4608xi32> to vector<8x1xi32>
    %broadcast_in_dim3A_898 = arith.constant 0 : i32
    %broadcast_in_dim3A_899 = vector.broadcast %broadcast_in_dim3A_898 : i32 to vector<1x1xi32>
    %slice3A_900 = vector.extract_strided_slice %slice3A_897 {offsets = [0, 0], sizes = [7, 1], strides = [1, 1]} : vector<8x1xi32> to vector<7x1xi32>
    %concatenate3A_901 = tpu.concatenate %broadcast_in_dim3A_899, %slice3A_900 in 0 : vector<1x1xi32>, vector<7x1xi32> -> vector<8x1xi32>
    %add3A_902 = arith.addi %slice3A_897, %concatenate3A_901 : vector<8x1xi32>
    %broadcast_in_dim3A_903 = arith.constant 0 : i32
    %broadcast_in_dim3A_904 = vector.broadcast %broadcast_in_dim3A_903 : i32 to vector<2x1xi32>
    %slice3A_905 = vector.extract_strided_slice %add3A_902 {offsets = [0, 0], sizes = [6, 1], strides = [1, 1]} : vector<8x1xi32> to vector<6x1xi32>
    %concatenate3A_906 = tpu.concatenate %broadcast_in_dim3A_904, %slice3A_905 in 0 : vector<2x1xi32>, vector<6x1xi32> -> vector<8x1xi32>
    %add3A_907 = arith.addi %add3A_902, %concatenate3A_906 : vector<8x1xi32>
    %broadcast_in_dim3A_908 = arith.constant 0 : i32
    %broadcast_in_dim3A_909 = vector.broadcast %broadcast_in_dim3A_908 : i32 to vector<4x1xi32>
    %slice3A_910 = vector.extract_strided_slice %add3A_907 {offsets = [0, 0], sizes = [4, 1], strides = [1, 1]} : vector<8x1xi32> to vector<4x1xi32>
    %concatenate3A_911 = tpu.concatenate %broadcast_in_dim3A_909, %slice3A_910 in 0 : vector<4x1xi32>, vector<4x1xi32> -> vector<8x1xi32>
    %add3A_912 = arith.addi %add3A_907, %concatenate3A_911 : vector<8x1xi32>
    %sub3A_913 = arith.subi %add3A_912, %slice3A_897 : vector<8x1xi32>
    %add3A_914 = vector.broadcast %sub3A_913 : vector<8x1xi32> to vector<8x4608xi32>
    %add3A_915 = arith.addi %add3A_896, %add3A_914 : vector<8x4608xi32>
    %mul3A_916 = arith.constant 43008 : i32
    %mul3A_917 = arith.muli %arg0, %mul3A_916 : i32
    %sub3A_918 = arith.constant 1 : i32
    %sub3A_919 = vector.broadcast %sub3A_918 : i32 to vector<8x4608xi32>
    %sub3A_920 = arith.subi %add3A_915, %sub3A_919 : vector<8x4608xi32>
    %add3A_921 = vector.broadcast %mul3A_917 : i32 to vector<8x4608xi32>
    %add3A_922 = arith.addi %sub3A_920, %add3A_921 : vector<8x4608xi32>
    %sub3A_923 = arith.subi %add3A_596, %add3A_915 : vector<8x4608xi32>
    %add3A_924 = arith.constant 6144 : i32
    %add3A_925 = vector.broadcast %add3A_924 : i32 to vector<8x4608xi32>
    %add3A_926 = arith.addi %add3A_925, %sub3A_923 : vector<8x4608xi32>
    %add3A_927 = vector.broadcast %mul3A_917 : i32 to vector<8x4608xi32>
    %add3A_928 = arith.addi %add3A_926, %add3A_927 : vector<8x4608xi32>
    %select_n3A_929 = arith.select %or3A_833, %add3A_922, %add3A_928 : vector<8x4608xi1>, vector<8x4608xi32>
    %swap3A_930 = arith.constant 0 : index
    %swap3A_931 = arith.constant 0 : index
    %swap3A_932 = arith.constant 0 : index
    %swap3A_933 = vector.load %arg15[%swap3A_930, %swap3A_931, %swap3A_932] : memref<1x8x4608xi32, #tpu.memory_space<vmem>>, vector<1x8x4608xi32>
    %swap3A_934 = vector.shape_cast %swap3A_933 : vector<1x8x4608xi32> to vector<8x4608xi32>
    %swap3A_935 = vector.shape_cast %select_n3A_929 : vector<8x4608xi32> to vector<1x8x4608xi32>
    tpu.vector_store %arg15[%swap3A_930, %swap3A_931, %swap3A_932], %swap3A_935 {strides = array<i32>} : memref<1x8x4608xi32, #tpu.memory_space<vmem>>, vector<1x8x4608xi32>,
    return
  }
  func.func @transform_0(%arg0: i32) -> (i32, i32, i32) {
    %c0_i32 = arith.constant 0 : i32
    %c0_i32_0 = arith.constant 0 : i32
    %c0_i32_1 = arith.constant 0 : i32
    return %arg0, %c0_i32, %c0_i32_0 : i32, i32, i32
  }
  func.func @transform_1(%arg0: i32) -> (i32, i32, i32) {
    %c0_i32 = arith.constant 0 : i32
    %c0_i32_0 = arith.constant 0 : i32
    %c0_i32_1 = arith.constant 0 : i32
    return %arg0, %c0_i32, %c0_i32_0 : i32, i32, i32
  }
  func.func @transform_2(%arg0: i32) -> (i32, i32, i32) {
    %c0_i32 = arith.constant 0 : i32
    %c0_i32_0 = arith.constant 0 : i32
    %c0_i32_1 = arith.constant 0 : i32
    return %arg0, %c0_i32, %c0_i32_0 : i32, i32, i32
  }
  func.func @transform_3(%arg0: i32) -> (i32, i32, i32) {
    %c0_i32 = arith.constant 0 : i32
    %c0_i32_0 = arith.constant 0 : i32
    %c0_i32_1 = arith.constant 0 : i32
    return %arg0, %c0_i32, %c0_i32_0 : i32, i32, i32
  }
  func.func @transform_4(%arg0: i32) -> (i32, i32, i32) {
    %c0_i32 = arith.constant 0 : i32
    %c0_i32_0 = arith.constant 0 : i32
    %c0_i32_1 = arith.constant 0 : i32
    return %arg0, %c0_i32, %c0_i32_0 : i32, i32, i32
  }
  func.func @transform_5(%arg0: i32) -> (i32, i32) {
    %c0_i32 = arith.constant 0 : i32
    %c0_i32_0 = arith.constant 0 : i32
    %c0_i32_1 = arith.constant 0 : i32
    return %c0_i32, %c0_i32_0 : i32, i32
  }
  func.func @transform_6(%arg0: i32) -> (i32, i32) {
    %c0_i32 = arith.constant 0 : i32
    %c0_i32_0 = arith.constant 0 : i32
    %c0_i32_1 = arith.constant 0 : i32
    return %c0_i32, %c0_i32_0 : i32, i32
  }
  func.func @transform_7(%arg0: i32) -> (i32, i32) {
    %c0_i32 = arith.constant 0 : i32
    %c0_i32_0 = arith.constant 0 : i32
    %c0_i32_1 = arith.constant 0 : i32
    return %c0_i32, %c0_i32_0 : i32, i32
  }
  func.func @transform_8(%arg0: i32) -> (i32, i32) {
    %c0_i32 = arith.constant 0 : i32
    %c0_i32_0 = arith.constant 0 : i32
    %c0_i32_1 = arith.constant 0 : i32
    return %c0_i32, %c0_i32_0 : i32, i32
  }
  func.func @transform_9(%arg0: i32) -> (i32, i32) {
    %c0_i32 = arith.constant 0 : i32
    %c0_i32_0 = arith.constant 0 : i32
    %c0_i32_1 = arith.constant 0 : i32
    return %c0_i32, %c0_i32_0 : i32, i32
  }
  func.func @transform_10(%arg0: i32) -> (i32, i32, i32) {
    %c0_i32 = arith.constant 0 : i32
    %c0_i32_0 = arith.constant 0 : i32
    %c0_i32_1 = arith.constant 0 : i32
    return %arg0, %c0_i32, %c0_i32_0 : i32, i32, i32
  }
  func.func @transform_11(%arg0: i32) -> (i32, i32, i32) {
    %c0_i32 = arith.constant 0 : i32
    %c0_i32_0 = arith.constant 0 : i32
    %c0_i32_1 = arith.constant 0 : i32
    return %arg0, %c0_i32, %c0_i32_0 : i32, i32, i32
  }
  func.func @transform_12(%arg0: i32) -> (i32, i32, i32) {
    %c0_i32 = arith.constant 0 : i32
    %c0_i32_0 = arith.constant 0 : i32
    %c0_i32_1 = arith.constant 0 : i32
    return %arg0, %c0_i32, %c0_i32_0 : i32, i32, i32
  }
  func.func @transform_13(%arg0: i32) -> (i32, i32, i32) {
    %c0_i32 = arith.constant 0 : i32
    %c0_i32_0 = arith.constant 0 : i32
    %c0_i32_1 = arith.constant 0 : i32
    return %arg0, %c0_i32, %c0_i32_0 : i32, i32, i32
  }
  func.func @transform_14(%arg0: i32) -> (i32, i32, i32) {
    %c0_i32 = arith.constant 0 : i32
    %c0_i32_0 = arith.constant 0 : i32
    %c0_i32_1 = arith.constant 0 : i32
    return %arg0, %c0_i32, %c0_i32_0 : i32, i32, i32
  }
}

module attributes {stable_mosaic.version = 14 : i64} {
  func.func @_stage_c_kernel(%arg0: i32, %arg1: memref<1x8x768xf32, #tpu.memory_space<vmem>>, %arg2: memref<1x8x768xf32, #tpu.memory_space<vmem>>, %arg3: memref<1x8x768xf32, #tpu.memory_space<vmem>>, %arg4: memref<1x8x768xf32, #tpu.memory_space<vmem>>, %arg5: memref<1x8x768xf32, #tpu.memory_space<vmem>>, %arg6: memref<1x8x512xf32, #tpu.memory_space<vmem>>) attributes {dimension_semantics = [#tpu.dimension_semantics<arbitrary>], iteration_bounds = array<i64: 2>, scalar_prefetch = 0 : i64, scratch_operands = 0 : i64, tpu.core_type = #tpu.core_type<tc>, window_params = [{transform_indices = @transform_0, window_bounds = array<i64: 1, 8, 768>}, {transform_indices = @transform_1, window_bounds = array<i64: 1, 8, 768>}, {transform_indices = @transform_2, window_bounds = array<i64: 1, 8, 768>}, {transform_indices = @transform_3, window_bounds = array<i64: 1, 8, 768>}, {transform_indices = @transform_4, window_bounds = array<i64: 1, 8, 768>}, {transform_indices = @transform_5, window_bounds = array<i64: 1, 8, 512>}]} {
    %iota3A = tpu.iota {dimensions = array<i32: 0>} : vector<8x768xi32>
    %mul3A = arith.constant 768 : i32
    %mul3A_0 = vector.broadcast %mul3A : i32 to vector<8x768xi32>
    %mul3A_1 = arith.muli %iota3A, %mul3A_0 : vector<8x768xi32>
    %iota3A_2 = tpu.iota {dimensions = array<i32: 1>} : vector<8x768xi32>
    %add3A = arith.addi %mul3A_1, %iota3A_2 : vector<8x768xi32>
    %lt3A = arith.constant 6000 : i32
    %lt3A_3 = vector.broadcast %lt3A : i32 to vector<8x768xi32>
    %lt3A_4 = arith.cmpi slt, %add3A, %lt3A_3 : vector<8x768xi32>
    %get3A = arith.constant 0 : index
    %get3A_5 = arith.constant 0 : index
    %get3A_6 = arith.constant 0 : index
    %get3A_7 = vector.load %arg1[%get3A, %get3A_5, %get3A_6] : memref<1x8x768xf32, #tpu.memory_space<vmem>>, vector<1x8x768xf32>
    %get3A_8 = vector.shape_cast %get3A_7 : vector<1x8x768xf32> to vector<8x768xf32>
    %get3A_9 = arith.constant 0 : index
    %get3A_10 = arith.constant 0 : index
    %get3A_11 = arith.constant 0 : index
    %get3A_12 = vector.load %arg2[%get3A_9, %get3A_10, %get3A_11] : memref<1x8x768xf32, #tpu.memory_space<vmem>>, vector<1x8x768xf32>
    %get3A_13 = vector.shape_cast %get3A_12 : vector<1x8x768xf32> to vector<8x768xf32>
    %get3A_14 = arith.constant 0 : index
    %get3A_15 = arith.constant 0 : index
    %get3A_16 = arith.constant 0 : index
    %get3A_17 = vector.load %arg3[%get3A_14, %get3A_15, %get3A_16] : memref<1x8x768xf32, #tpu.memory_space<vmem>>, vector<1x8x768xf32>
    %get3A_18 = vector.shape_cast %get3A_17 : vector<1x8x768xf32> to vector<8x768xf32>
    %get3A_19 = arith.constant 0 : index
    %get3A_20 = arith.constant 0 : index
    %get3A_21 = arith.constant 0 : index
    %get3A_22 = vector.load %arg4[%get3A_19, %get3A_20, %get3A_21] : memref<1x8x768xf32, #tpu.memory_space<vmem>>, vector<1x8x768xf32>
    %get3A_23 = vector.shape_cast %get3A_22 : vector<1x8x768xf32> to vector<8x768xf32>
    %sub3A = arith.subf %get3A_18, %get3A_8 : vector<8x768xf32>
    %add3A_24 = arith.constant 1.000000e+00 : f32
    %add3A_25 = vector.broadcast %add3A_24 : f32 to vector<8x768xf32>
    %add3A_26 = arith.addf %sub3A, %add3A_25 : vector<8x768xf32>
    %sub3A_27 = arith.subf %get3A_23, %get3A_13 : vector<8x768xf32>
    %add3A_28 = arith.constant 1.000000e+00 : f32
    %add3A_29 = vector.broadcast %add3A_28 : f32 to vector<8x768xf32>
    %add3A_30 = arith.addf %sub3A_27, %add3A_29 : vector<8x768xf32>
    %mul3A_31 = arith.mulf %add3A_26, %add3A_30 : vector<8x768xf32>
    %get3A_32 = arith.constant 0 : index
    %get3A_33 = arith.constant 0 : index
    %get3A_34 = arith.constant 0 : index
    %get3A_35 = vector.load %arg5[%get3A_32, %get3A_33, %get3A_34] : memref<1x8x768xf32, #tpu.memory_space<vmem>>, vector<1x8x768xf32>
    %get3A_36 = vector.shape_cast %get3A_35 : vector<1x8x768xf32> to vector<8x768xf32>
    %jit3A = arith.constant 0xFF800000 : f32
    %broadcast_in_dim3A = vector.broadcast %jit3A : f32 to vector<8x768xf32>
    %select_n3A = arith.select %lt3A_4, %get3A_36, %broadcast_in_dim3A : vector<8x768xi1>, vector<8x768xf32>
    %iota3A_37 = tpu.iota {dimensions = array<i32: 0>} : vector<8x512xi32>
    %iota3A_38 = tpu.iota {dimensions = array<i32: 1>} : vector<8x512xi32>
    %eq3A = arith.constant 4 : i32
    %eq3A_39 = vector.broadcast %eq3A : i32 to vector<8x512xi32>
    %eq3A_40 = arith.cmpi eq, %iota3A_37, %eq3A_39 : vector<8x512xi32>
    %convert_element_type3A = arith.sitofp %arg0 : i32 to f32
    %jit3A_41 = arith.constant 0.000000e+00 : f32
    %broadcast_in_dim3A_42 = vector.broadcast %convert_element_type3A : f32 to vector<8x512xf32>
    %broadcast_in_dim3A_43 = vector.broadcast %jit3A_41 : f32 to vector<8x512xf32>
    %select_n3A_44 = arith.select %eq3A_40, %broadcast_in_dim3A_42, %broadcast_in_dim3A_43 : vector<8x512xi1>, vector<8x512xf32>
    %scan3A = arith.constant 0 : i32
    %scan3A_45 = arith.constant 300 : i32
    %scan3A_46 = arith.addi %scan3A, %scan3A_45 : i32
    %scan3A_47 = arith.constant 1 : i32
    %scan3A_48:2 = scf.for %scan3A_55 = %scan3A to %scan3A_46 step %scan3A_47 iter_args(%scan3A_56 = %select_n3A, %scan3A_57 = %select_n3A_44) -> (vector<8x768xf32>, vector<8x512xf32>)  : i32 {
      %reduce_max3A = vector.shape_cast %scan3A_56 : vector<8x768xf32> to vector<1x8x768xf32>
      %reduce_max3A_58 = arith.constant dense<0xFF800000> : vector<1xf32>
      %reduce_max3A_59 = vector.multi_reduction <maximumf>, %reduce_max3A, %reduce_max3A_58 [1, 2] : vector<1x8x768xf32> to vector<1xf32>
      %reduce_max3A_60 = vector.shape_cast %reduce_max3A_59 : vector<1xf32> to vector<1x1x1xf32>
      %reduce_max3A_61 = vector.extract %reduce_max3A_60[0, 0, 0] : f32 from vector<1x1x1xf32>
      %ne3A = arith.constant 0xFF800000 : f32
      %ne3A_62 = arith.cmpf one, %reduce_max3A_61, %ne3A : f32
      %eq3A_63 = vector.broadcast %reduce_max3A_61 : f32 to vector<8x768xf32>
      %eq3A_64 = arith.cmpf oeq, %scan3A_56, %eq3A_63 : vector<8x768xf32>
      %jit3A_65 = arith.constant 2147483647 : i32
      %broadcast_in_dim3A_66 = vector.broadcast %jit3A_65 : i32 to vector<8x768xi32>
      %select_n3A_67 = arith.select %eq3A_64, %add3A, %broadcast_in_dim3A_66 : vector<8x768xi1>, vector<8x768xi32>
      %reduce_min3A = vector.shape_cast %select_n3A_67 : vector<8x768xi32> to vector<1x8x768xi32>
      %reduce_min3A_68 = arith.constant dense<2147483647> : vector<1xi32>
      %reduce_min3A_69 = vector.multi_reduction <minsi>, %reduce_min3A, %reduce_min3A_68 [1, 2] : vector<1x8x768xi32> to vector<1xi32>
      %reduce_min3A_70 = vector.shape_cast %reduce_min3A_69 : vector<1xi32> to vector<1x1x1xi32>
      %reduce_min3A_71 = vector.extract %reduce_min3A_70[0, 0, 0] : i32 from vector<1x1x1xi32>
      %eq3A_72 = vector.broadcast %reduce_min3A_71 : i32 to vector<8x768xi32>
      %eq3A_73 = arith.cmpi eq, %add3A, %eq3A_72 : vector<8x768xi32>
      %and3A = arith.andi %eq3A_64, %eq3A_73 : vector<8x768xi1>
      %jit3A_74 = arith.constant 0.000000e+00 : f32
      %broadcast_in_dim3A_75 = vector.broadcast %jit3A_74 : f32 to vector<8x768xf32>
      %select_n3A_76 = arith.select %and3A, %get3A_8, %broadcast_in_dim3A_75 : vector<8x768xi1>, vector<8x768xf32>
      %reduce_sum3A = vector.shape_cast %select_n3A_76 : vector<8x768xf32> to vector<1x8x768xf32>
      %reduce_sum3A_77 = arith.constant dense<0.000000e+00> : vector<1xf32>
      %reduce_sum3A_78 = vector.multi_reduction <add>, %reduce_sum3A, %reduce_sum3A_77 [1, 2] : vector<1x8x768xf32> to vector<1xf32>
      %reduce_sum3A_79 = vector.shape_cast %reduce_sum3A_78 : vector<1xf32> to vector<1x1x1xf32>
      %reduce_sum3A_80 = vector.extract %reduce_sum3A_79[0, 0, 0] : f32 from vector<1x1x1xf32>
      %jit3A_81 = arith.constant 0.000000e+00 : f32
      %broadcast_in_dim3A_82 = vector.broadcast %jit3A_81 : f32 to vector<8x768xf32>
      %select_n3A_83 = arith.select %and3A, %get3A_13, %broadcast_in_dim3A_82 : vector<8x768xi1>, vector<8x768xf32>
      %reduce_sum3A_84 = vector.shape_cast %select_n3A_83 : vector<8x768xf32> to vector<1x8x768xf32>
      %reduce_sum3A_85 = arith.constant dense<0.000000e+00> : vector<1xf32>
      %reduce_sum3A_86 = vector.multi_reduction <add>, %reduce_sum3A_84, %reduce_sum3A_85 [1, 2] : vector<1x8x768xf32> to vector<1xf32>
      %reduce_sum3A_87 = vector.shape_cast %reduce_sum3A_86 : vector<1xf32> to vector<1x1x1xf32>
      %reduce_sum3A_88 = vector.extract %reduce_sum3A_87[0, 0, 0] : f32 from vector<1x1x1xf32>
      %jit3A_89 = arith.constant 0.000000e+00 : f32
      %broadcast_in_dim3A_90 = vector.broadcast %jit3A_89 : f32 to vector<8x768xf32>
      %select_n3A_91 = arith.select %and3A, %get3A_18, %broadcast_in_dim3A_90 : vector<8x768xi1>, vector<8x768xf32>
      %reduce_sum3A_92 = vector.shape_cast %select_n3A_91 : vector<8x768xf32> to vector<1x8x768xf32>
      %reduce_sum3A_93 = arith.constant dense<0.000000e+00> : vector<1xf32>
      %reduce_sum3A_94 = vector.multi_reduction <add>, %reduce_sum3A_92, %reduce_sum3A_93 [1, 2] : vector<1x8x768xf32> to vector<1xf32>
      %reduce_sum3A_95 = vector.shape_cast %reduce_sum3A_94 : vector<1xf32> to vector<1x1x1xf32>
      %reduce_sum3A_96 = vector.extract %reduce_sum3A_95[0, 0, 0] : f32 from vector<1x1x1xf32>
      %jit3A_97 = arith.constant 0.000000e+00 : f32
      %broadcast_in_dim3A_98 = vector.broadcast %jit3A_97 : f32 to vector<8x768xf32>
      %select_n3A_99 = arith.select %and3A, %get3A_23, %broadcast_in_dim3A_98 : vector<8x768xi1>, vector<8x768xf32>
      %reduce_sum3A_100 = vector.shape_cast %select_n3A_99 : vector<8x768xf32> to vector<1x8x768xf32>
      %reduce_sum3A_101 = arith.constant dense<0.000000e+00> : vector<1xf32>
      %reduce_sum3A_102 = vector.multi_reduction <add>, %reduce_sum3A_100, %reduce_sum3A_101 [1, 2] : vector<1x8x768xf32> to vector<1xf32>
      %reduce_sum3A_103 = vector.shape_cast %reduce_sum3A_102 : vector<1xf32> to vector<1x1x1xf32>
      %reduce_sum3A_104 = vector.extract %reduce_sum3A_103[0, 0, 0] : f32 from vector<1x1x1xf32>
      %sub3A_105 = arith.subf %reduce_sum3A_96, %reduce_sum3A_80 : f32
      %add3A_106 = arith.constant 1.000000e+00 : f32
      %add3A_107 = arith.addf %sub3A_105, %add3A_106 : f32
      %sub3A_108 = arith.subf %reduce_sum3A_104, %reduce_sum3A_88 : f32
      %add3A_109 = arith.constant 1.000000e+00 : f32
      %add3A_110 = arith.addf %sub3A_108, %add3A_109 : f32
      %mul3A_111 = arith.mulf %add3A_107, %add3A_110 : f32
      %max3A = vector.broadcast %reduce_sum3A_80 : f32 to vector<8x768xf32>
      %max3A_112 = arith.maximumf %get3A_8, %max3A : vector<8x768xf32>
      %max3A_113 = vector.broadcast %reduce_sum3A_88 : f32 to vector<8x768xf32>
      %max3A_114 = arith.maximumf %get3A_13, %max3A_113 : vector<8x768xf32>
      %min3A = vector.broadcast %reduce_sum3A_96 : f32 to vector<8x768xf32>
      %min3A_115 = arith.minimumf %get3A_18, %min3A : vector<8x768xf32>
      %min3A_116 = vector.broadcast %reduce_sum3A_104 : f32 to vector<8x768xf32>
      %min3A_117 = arith.minimumf %get3A_23, %min3A_116 : vector<8x768xf32>
      %sub3A_118 = arith.subf %min3A_115, %max3A_112 : vector<8x768xf32>
      %add3A_119 = arith.constant 1.000000e+00 : f32
      %add3A_120 = vector.broadcast %add3A_119 : f32 to vector<8x768xf32>
      %add3A_121 = arith.addf %sub3A_118, %add3A_120 : vector<8x768xf32>
      %max3A_122 = arith.constant 0.000000e+00 : f32
      %max3A_123 = vector.broadcast %max3A_122 : f32 to vector<8x768xf32>
      %max3A_124 = arith.maximumf %add3A_121, %max3A_123 : vector<8x768xf32>
      %sub3A_125 = arith.subf %min3A_117, %max3A_114 : vector<8x768xf32>
      %add3A_126 = arith.constant 1.000000e+00 : f32
      %add3A_127 = vector.broadcast %add3A_126 : f32 to vector<8x768xf32>
      %add3A_128 = arith.addf %sub3A_125, %add3A_127 : vector<8x768xf32>
      %max3A_129 = arith.constant 0.000000e+00 : f32
      %max3A_130 = vector.broadcast %max3A_129 : f32 to vector<8x768xf32>
      %max3A_131 = arith.maximumf %add3A_128, %max3A_130 : vector<8x768xf32>
      %mul3A_132 = arith.mulf %max3A_124, %max3A_131 : vector<8x768xf32>
      %mul3A_133 = arith.constant 1.700000e+00 : f32
      %mul3A_134 = vector.broadcast %mul3A_133 : f32 to vector<8x768xf32>
      %mul3A_135 = arith.mulf %mul3A_134, %mul3A_132 : vector<8x768xf32>
      %add3A_136 = vector.broadcast %mul3A_111 : f32 to vector<8x768xf32>
      %add3A_137 = arith.addf %add3A_136, %mul3A_31 : vector<8x768xf32>
      %mul3A_138 = arith.constant 0.699999988 : f32
      %mul3A_139 = vector.broadcast %mul3A_138 : f32 to vector<8x768xf32>
      %mul3A_140 = arith.mulf %mul3A_139, %add3A_137 : vector<8x768xf32>
      %gt3A = arith.cmpf ogt, %mul3A_135, %mul3A_140 : vector<8x768xf32>
      %and3A_141 = vector.broadcast %ne3A_62 : i1 to vector<8x768xi1>
      %and3A_142 = arith.andi %gt3A, %and3A_141 : vector<8x768xi1>
      %jit3A_143 = arith.constant 0xFF800000 : f32
      %broadcast_in_dim3A_144 = vector.broadcast %jit3A_143 : f32 to vector<8x768xf32>
      %select_n3A_145 = arith.select %and3A_142, %broadcast_in_dim3A_144, %scan3A_56 : vector<8x768xi1>, vector<8x768xf32>
      %eq3A_146 = vector.broadcast %scan3A_55 : i32 to vector<8x512xi32>
      %eq3A_147 = arith.cmpi eq, %iota3A_38, %eq3A_146 : vector<8x512xi32>
      %and3A_148 = vector.broadcast %ne3A_62 : i1 to vector<8x512xi1>
      %and3A_149 = arith.andi %eq3A_147, %and3A_148 : vector<8x512xi1>
      %eq3A_150 = arith.constant 0 : i32
      %eq3A_151 = vector.broadcast %eq3A_150 : i32 to vector<8x512xi32>
      %eq3A_152 = arith.cmpi eq, %iota3A_37, %eq3A_151 : vector<8x512xi32>
      %eq3A_153 = arith.constant 1 : i32
      %eq3A_154 = vector.broadcast %eq3A_153 : i32 to vector<8x512xi32>
      %eq3A_155 = arith.cmpi eq, %iota3A_37, %eq3A_154 : vector<8x512xi32>
      %eq3A_156 = arith.constant 2 : i32
      %eq3A_157 = vector.broadcast %eq3A_156 : i32 to vector<8x512xi32>
      %eq3A_158 = arith.cmpi eq, %iota3A_37, %eq3A_157 : vector<8x512xi32>
      %broadcast_in_dim3A_159 = vector.broadcast %reduce_sum3A_96 : f32 to vector<8x512xf32>
      %broadcast_in_dim3A_160 = vector.broadcast %reduce_sum3A_104 : f32 to vector<8x512xf32>
      %select_n3A_161 = arith.select %eq3A_158, %broadcast_in_dim3A_159, %broadcast_in_dim3A_160 : vector<8x512xi1>, vector<8x512xf32>
      %broadcast_in_dim3A_162 = vector.broadcast %reduce_sum3A_88 : f32 to vector<8x512xf32>
      %select_n3A_163 = arith.select %eq3A_155, %broadcast_in_dim3A_162, %select_n3A_161 : vector<8x512xi1>, vector<8x512xf32>
      %broadcast_in_dim3A_164 = vector.broadcast %reduce_sum3A_80 : f32 to vector<8x512xf32>
      %select_n3A_165 = arith.select %eq3A_152, %broadcast_in_dim3A_164, %select_n3A_163 : vector<8x512xi1>, vector<8x512xf32>
      %lt3A_166 = arith.constant 4 : i32
      %lt3A_167 = vector.broadcast %lt3A_166 : i32 to vector<8x512xi32>
      %lt3A_168 = arith.cmpi slt, %iota3A_37, %lt3A_167 : vector<8x512xi32>
      %and3A_169 = arith.andi %and3A_149, %lt3A_168 : vector<8x512xi1>
      %jit3A_170 = arith.constant 0.000000e+00 : f32
      %broadcast_in_dim3A_171 = vector.broadcast %jit3A_170 : f32 to vector<8x512xf32>
      %select_n3A_172 = arith.select %and3A_169, %select_n3A_165, %broadcast_in_dim3A_171 : vector<8x512xi1>, vector<8x512xf32>
      %add3A_173 = arith.addf %scan3A_57, %select_n3A_172 : vector<8x512xf32>
      scf.yield %select_n3A_145, %add3A_173 : vector<8x768xf32>, vector<8x512xf32>
    }
    %scan3A_49 = arith.constant 300 : i32
    %swap3A = arith.constant 0 : index
    %swap3A_50 = arith.constant 0 : index
    %swap3A_51 = arith.constant 0 : index
    %swap3A_52 = vector.load %arg6[%swap3A, %swap3A_50, %swap3A_51] : memref<1x8x512xf32, #tpu.memory_space<vmem>>, vector<1x8x512xf32>
    %swap3A_53 = vector.shape_cast %swap3A_52 : vector<1x8x512xf32> to vector<8x512xf32>
    %swap3A_54 = vector.shape_cast %scan3A_48#1 : vector<8x512xf32> to vector<1x8x512xf32>
    tpu.vector_store %arg6[%swap3A, %swap3A_50, %swap3A_51], %swap3A_54 {strides = array<i32>} : memref<1x8x512xf32, #tpu.memory_space<vmem>>, vector<1x8x512xf32>,
    return
  }
  func.func @transform_0(%arg0: i32) -> (i32, i32, i32) {
    %c0_i32 = arith.constant 0 : i32
    %c0_i32_0 = arith.constant 0 : i32
    %c0_i32_1 = arith.constant 0 : i32
    return %arg0, %c0_i32, %c0_i32_0 : i32, i32, i32
  }
  func.func @transform_1(%arg0: i32) -> (i32, i32, i32) {
    %c0_i32 = arith.constant 0 : i32
    %c0_i32_0 = arith.constant 0 : i32
    %c0_i32_1 = arith.constant 0 : i32
    return %arg0, %c0_i32, %c0_i32_0 : i32, i32, i32
  }
  func.func @transform_2(%arg0: i32) -> (i32, i32, i32) {
    %c0_i32 = arith.constant 0 : i32
    %c0_i32_0 = arith.constant 0 : i32
    %c0_i32_1 = arith.constant 0 : i32
    return %arg0, %c0_i32, %c0_i32_0 : i32, i32, i32
  }
  func.func @transform_3(%arg0: i32) -> (i32, i32, i32) {
    %c0_i32 = arith.constant 0 : i32
    %c0_i32_0 = arith.constant 0 : i32
    %c0_i32_1 = arith.constant 0 : i32
    return %arg0, %c0_i32, %c0_i32_0 : i32, i32, i32
  }
  func.func @transform_4(%arg0: i32) -> (i32, i32, i32) {
    %c0_i32 = arith.constant 0 : i32
    %c0_i32_0 = arith.constant 0 : i32
    %c0_i32_1 = arith.constant 0 : i32
    return %arg0, %c0_i32, %c0_i32_0 : i32, i32, i32
  }
  func.func @transform_5(%arg0: i32) -> (i32, i32, i32) {
    %c0_i32 = arith.constant 0 : i32
    %c0_i32_0 = arith.constant 0 : i32
    %c0_i32_1 = arith.constant 0 : i32
    return %arg0, %c0_i32, %c0_i32_0 : i32, i32, i32
  }
}

</mosaic_0001>

<sc_bundles>
// kernel: kernel.5.cloned.1.call-start
scs
__scs_entry_jumppad:
0x0: {  	(pc) =	sbr.rel $0x88, $3  }
0x1: {  	(tag) =	ssettag $0x0;
	lr =	simm.s32 $0x1  }
0x2: {  	[smem:$0x3F9D] =	sst lr;
	_ =	strace $0xD0000000  }
0x3: {  	_ = 	snop  }
0x4: {  	_ = 	snop  }
0x5: {  	_ = 	snop  }
0x6: {  	_ = 	snop  }
0x7: {  	_ = 	snop  }
__scs_overlays_trampoline_lowered:
0x8: {  	[smem:$0x3FAC] =	sst s0  }
0x9: {  	[smem:$0x3FAD] =	sst s1  }
0xa: {  	[smem:$0x3FAE] =	sst s2  }
0xb: {  	[smem:$0x3FAF] =	sst s3  }
0xc: {  	[smem:$0x3FB0] =	sst s4  }
0xd: {  	[smem:$0x3FB1] =	sst s5  }
0xe: {  	[smem:$0x3FB2] =	sst s6  }
0xf: {  	[smem:$0x3FB3] =	sst s7  }
0x10: {  	[smem:$0x3FB4] =	sst s8  }
0x11: {  	[smem:$0x3FB5] =	sst s9;
	s0 =	simm.s32 @!p0 $0x0  }
0x12: {  	s1 =	sld [smem:$0x3F9B];
	s0 =	simm.s32 @p0 $0x1  }
0x13: {  	[smem:$0x3FB6] =	sst s0;
	s0 =	simm.s32 @!p1 $0x0  }
0x14: {  	s2 =	sld [smem:$0x3F9A];
	s0 =	simm.s32 @p1 $0x1  }
0x15: {  	[smem:$0x3FB7] =	sst s0;
	s0 =	simm.s32 @!p2 $0x0  }
0x16: {  	s3 =	sld [smem:$0x3FDB];
	s0 =	simm.s32 @p2 $0x1  }
0x17: {  	s4 =	simm.s32 $0x1BF5;
	[smem:$0x3FB9] =	sst s0  }
0x18: {  	s0 =	sld [smem:$0x3F9C];
	_ =	swait.ge [sflag:s4], $0x0  }
0x19: {  	s7 =	sld [smem:$0x3F9D]  }
0x1a: {  	s8 =	sadd.s32 $0xFFFFE003, lr  }
0x1b: {  	s9 =	sadd.s32 $0xFFFFFEF7, lr;
	s5 =	simm.s32 $0xFFFFFFFF;
	p2 =	slt.u32 s8, $0xFFFFF086  }
0x1c: {  	p1 =	slt.u32 s9, $0xF7A;
	s5 =	simm.s32 @!p2 $0x0  }
0x1d: {  	s5 =	simm.s32 @p1 $0x1;
	p0 =	seq.s32 s7, s2  }
0x1e: {  	s7 =	smul.u32 @!p0 $0xF7A, s2;
	p2 =	seq.s32 @!p0 s5, $0x0  }
0x1f: {  	s9 =	smul.u32 $0xF7A, s1;
	s8 =	simm.s32 @!p0 $0x1BF5;
	p2 =	por !p2, p0  }
0x20: {  	[sflag:s8] =	ssyncset.s32 @!p0 $0xFFFFF086;
	s6 =	sadd.s32 @!p0 s3, s7;
	s7 =	simm.s32 @!p0 $0x108  }
0x21: {  	s3 =	sadd.s32 s3, s9;
	s6 =	sadd.s32 @!p0 $0x88, s6;
	s7 =	simm.s32 @p2 $0x1082  }
0x22: {  	[simem:s7], [sflag:s8] =	dma.local @!p0 [hbm:s6], $0xF7A  }
0x23: {  	s9 =	sor.u32 $0xD0000000, s2;
	s6 =	simm.s32 $0x108;
	_ =	swait.ge @!p0 [sflag:s8], $0x0  }
0x24: {  	s3 =	sadd.s32 $0x88, s3;
	s6 =	simm.s32 @!p1 $0x1082;
	[sflag:s4] =	ssyncset.s32 $0xFFFFF086  }
0x25: {  	[simem:s6], [sflag:s4] =	dma.local [hbm:s3], $0xF7A  }
0x26: {  	[smem:$0x3F9D] =	sst s1;
	(tag) =	ssettag s2;
	_ =	strace s9  }
0x27: {  	s1 =	sld [smem:$0x3FAD]  }
0x28: {  	s2 =	sld [smem:$0x3FAE]  }
0x29: {  	s4 =	sld [smem:$0x3FB0]  }
0x2a: {  	p0 =	seq.s32 s5, $0x0;
	s5 =	sld [smem:$0x3FB1]  }
0x2b: {  	s6 =	sld [smem:$0x3FB2]  }
0x2c: {  	s7 =	sld [smem:$0x3FB3]  }
0x2d: {  	s3 =	simm.s32 $0x108;
	s8 =	sld [smem:$0x3FB4]  }
0x2e: {  	s3 =	simm.s32 @!p0 $0x1082;
	s9 =	sld [smem:$0x3FB5]  }
0x2f: {  	lr =	sadd.s32 s0, s3;
	s0 =	sld [smem:$0x3FAC]  }
0x30: {  	s3 =	sld [smem:$0x3FAF]  }
0x31: {  	[smem:$0x3FB8] =	sst s10  }
0x32: {  	s10 =	sld [smem:$0x3FB6];
	_ =	sdelay $0x3  }
0x33: {  	p0 =	seq.s32 s10, $0x1;
	s10 =	sld [smem:$0x3FB8];
	_ =	sdelay $0x3  }
0x34: {  	[smem:$0x3FB8] =	sst s10  }
0x35: {  	s10 =	sld [smem:$0x3FB7];
	_ =	sdelay $0x3  }
0x36: {  	p1 =	seq.s32 s10, $0x1;
	s10 =	sld [smem:$0x3FB8];
	_ =	sdelay $0x3  }
0x37: {  	[smem:$0x3FB8] =	sst s10  }
0x38: {  	s10 =	sld [smem:$0x3FB9]  }
0x39: {  	_ = 	snop;
	(pc) =	sbr.ind lr, $3  }
0x3a: {  	_ = 	snop  }
0x3b: {  	_ = 	snop  }
0x3c: {  	p2 =	seq.s32 s10, $0x1;
	s10 =	sld [smem:$0x3FB8]  }
0x3d: {  	_ =	shalt  }
0x3e: {  	_ =	shalt  }
0x3f: {  	_ =	shalt  }
0x40: {  	_ =	shalt  }
0x41: {  	_ =	shalt  }
0x42: {  	_ =	shalt  }
0x43: {  	_ =	shalt  }
0x44: {  	_ =	shalt  }
0x45: {  	_ =	shalt  }
0x46: {  	_ =	shalt  }
0x47: {  	_ =	shalt  }
0x48: {  	_ =	shalt  }
0x49: {  	_ =	shalt  }
0x4a: {  	_ =	shalt  }
0x4b: {  	_ =	shalt  }
0x4c: {  	_ =	shalt  }
0x4d: {  	_ =	shalt  }
0x4e: {  	_ =	shalt  }
0x4f: {  	_ =	shalt  }
0x50: {  	_ =	shalt  }
0x51: {  	_ =	shalt  }
0x52: {  	_ =	shalt  }
0x53: {  	_ =	shalt  }
0x54: {  	_ =	shalt  }
0x55: {  	_ =	shalt  }
0x56: {  	_ =	shalt  }
0x57: {  	_ =	shalt  }
0x58: {  	_ =	shalt  }
0x59: {  	_ =	shalt  }
0x5a: {  	_ =	shalt  }
0x5b: {  	_ =	shalt  }
0x5c: {  	_ =	shalt  }
0x5d: {  	_ =	shalt  }
0x5e: {  	_ =	shalt  }
0x5f: {  	_ =	shalt  }
0x60: {  	_ =	shalt  }
0x61: {  	_ =	shalt  }
0x62: {  	_ =	shalt  }
0x63: {  	_ =	shalt  }
0x64: {  	_ =	shalt  }
0x65: {  	_ =	shalt  }
0x66: {  	_ =	shalt  }
0x67: {  	_ =	shalt  }
0x68: {  	_ =	shalt  }
0x69: {  	_ =	shalt  }
0x6a: {  	_ =	shalt  }
0x6b: {  	_ =	shalt  }
0x6c: {  	_ =	shalt  }
0x6d: {  	_ =	shalt  }
0x6e: {  	_ =	shalt  }
0x6f: {  	_ =	shalt  }
0x70: {  	_ =	shalt  }
0x71: {  	_ =	shalt  }
0x72: {  	_ =	shalt  }
0x73: {  	_ =	shalt  }
0x74: {  	_ =	shalt  }
0x75: {  	_ =	shalt  }
0x76: {  	_ =	shalt  }
0x77: {  	_ =	shalt  }
0x78: {  	_ =	shalt  }
0x79: {  	_ =	shalt  }
0x7a: {  	_ =	shalt  }
0x7b: {  	_ =	shalt  }
0x7c: {  	_ =	shalt  }
0x7d: {  	_ =	shalt  }
0x7e: {  	_ =	shalt  }
0x7f: {  	_ =	shalt  }
0x80: {  	_ =	shalt  }
0x81: {  	_ =	shalt  }
0x82: {  	_ =	shalt  }
0x83: {  	_ =	shalt  }
0x84: {  	_ =	shalt  }
0x85: {  	_ =	shalt  }
0x86: {  	_ =	shalt  }
0x87: {  	_ =	shalt  }
.Lfunc_end0:
.L_simem_size_0:
called_computation_lowered:
.L_overlay_start_0:
0x88: {  	s2 =	sld [smem:$0x3FD9]  }
0x89: {  	s3 =	sld [smem:$0x3FFE];
	_ =	sdelay $0x1  }
0x8a: {  	s1 =	srdreg.scid  }
0x8b: {  	s0 =	sand.u32 $0x1, s1  }
0x8c: {  	s16 =	sshll.u32 s0, $0xA;
	s2 =	sadd.s32 s3, s2  }
0x8d: {  	s2 =	sadd.s32 s2, s16  }
0x8e: {  	[smem:$0x3FC4] =	sst s2  }
0x8f: {  	_ = 	snop  }
0x90: {  	(tm) =	ssettm $0x1  }
0x91: {  	s17 =	sld [smem:$0x3FFB];
	_ =	sdelay $0x3  }
0x92: {  	_ =	strace s17  }
0x93: {  	s2 =	sld [smem:$0x3FFC];
	_ =	sdelay $0x3  }
0x94: {  	_ =	strace s2  }
0x95: {  	s2 =	sld [smem:$0x3FFD];
	_ =	sdelay $0x3  }
0x96: {  	_ =	strace s2  }
0x97: {  	_ =	strace $0x8FFFFFFF  }
0x98: {  	s18 =	sld [smem:$0x3FDB];
	_ =	sdelay $0x1  }
0x99: {  	s19 =	simm.s32 $_scs_section_size  }
0x9a: {  	s4 =	simm.s32 $_size__tile_overlayer_lowered;
	s5 =	simm.s32 $_tile_overlayer_lowered  }
0x9b: {  	s22 =	simm.s32 $0x1BFF;
	s21 =	sshll.u32 s5, $0x1;
	s2 =	sadd.s32 s19, s18  }
0x9c: {  	s6 =	simm.s32 $0x0;
	s20 =	sshll.u32 s4, $0x1;
	s4 =	sadd.s32 s21, s2  }
0x9d: {  	[timem:s6], [sflag:s22] =	dma.local [hbm:s4], s20  }
0x9e: {  	_ =	swait.ge [sflag:s22], s20  }
0x9f: {  	s3 =	ssub.s32 $0x0, s20;
	[sflag:s22] =	ssyncset.done $0x0  }
0xa0: {  	[sflag:s22] =	ssyncadd.s32 s3;
	_ =	sdelay $0x1  }
0xa1: {  	s23 =	simm.s32 $0x1B8B  }
0xa2: {  	_ =	swait.ge [sflag:s23], $0x1  }
0xa3: {  	[sflag:s23] =	ssyncset.done $0x0  }
0xa4: {  	s25 =	simm.s32 $0x1B8E;
	s24 =	sld [smem:$0x3FFE];
	[sflag:s23] =	ssyncadd.s32 $0xFFFFFFFF  }
0xa5: {  	s26 =	simm.s32 $execute0_lowered;
	[smem:$0x3FD2] =	sst s25  }
0xa6: {  	s4 =	sshll.u32 s26, $0x1;
	_ =	strace $0x80000046;
	[dreg:$0x1] =	wrdreg $0xFFFFFFFF  }
0xa7: {  	s28 =	simm.s32 $_size_execute0_lowered;
	s2 =	sadd.s32 s2, s4;
	[dreg:$0x0] =	wrdreg $0x0  }
0xa8: {  	s4 =	sshll.u32 s28, $0x1;
	[dreg:$0x2] =	wrdreg s2  }
0xa9: {  	[dreg:$0x3] =	wrdreg s4  }
0xaa: {  	[dreg:$0x4] =	wrdreg $0xC0  }
0xab: {  	_ =	task [dreg:s6], $0x5FFFF  }
0xac: {  	[dreg:$0x1] =	wrdreg $0xFFFFFFFF  }
0xad: {  	[dreg:$0x0] =	wrdreg $0x60  }
0xae: {  	[dreg:$0x2] =	wrdreg s24  }
0xaf: {  	[dreg:$0x3] =	wrdreg $0x9  }
0xb0: {  	_ =	task.clear_ibuf [dreg:s6], $0x4FFFF;
	_ =	strace $0x90000046  }
0xb1: {  	s29 =	simm.s32 $0x9;
	_ =	strace $0x80000048  }
0xb2: {  	_ =	swait.ge [sflag:s29], $0x1  }
0xb3: {  	[sflag:s29] =	ssyncadd.s32 $0xFFFFFFFF  }
0xb4: {  	_ =	strace $0x90000048  }
0xb5: {  	_ =	sfence  }
0xb6: {  	s30 =	sld [smem:$0x0];
	_ =	sdelay $0x2  }
0xb7: {  	s31 =	sshll.u32 s1, $0xD;
	s1 =	sshrl.u32 s1, $0x2  }
0xb8: {  	s3 =	sand.u32 $0x4000, s31;
	s1 =	sadd.s32 s1, s30  }
0xb9: {  	s0 =	sor.u32 s3, s0;
	s1 =	sshll.u32 s1, $0x11  }
0xba: {  	s0 =	sor.u32 s1, s0  }
0xbb: {  	s0 =	sadd.s32 $0x8F2B, s0  }
0xbc: {  	[sflag:s0] =	ssyncadd.remote.s32 $0x1  }
0xbd: {  	_ =	sfence.sel $0xFFFF  }
0xbe: {  	[dreg:$0x0] =	wrdreg $0xFFFFFFFF;
	(pc) =	sbr.abs _section_cstart, $3  }
0xbf: {  	[dreg:$0x1] =	wrdreg $0xFFFFFFFF  }
0xc0: {  	_ =	task.clear_ibuf [dreg:s6], $0x2FFFF;
	_ =	strace $0x9FFFFFFF  }
0xc1: {  	(tm) =	ssettm $0x7FFFFFFF  }
tec
execute0_lowered:
.L_overlay_start_1:
0x0: {  	(tag) =	ssettag $0x1  }
0x1: {  	s1 =	srdreg.scid  }
0x2: {  	s0 =	stileid.u32;
	s7 =	rddreg [dreg:$0x0]  }
0x3: {  	s2 =	simm.s32 $0x0;
	s15 =	simm.s32 $0x2;
	s16 =	simm.s32 $0xC00  }
0x4: {  	s17 =	simm.s32 $0x1800;
	s18 =	simm.s32 $0x2400;
	s19 =	simm.s32 $0x3000  }
0x5: {  	s20 =	simm.s32 $0x3C00;
	s21 =	simm.s32 $0x80;
	s22 =	simm.s32 $0x1  }
0x6: {  	s5 =	sand.u32 $0x1, s1;
	s31 =	sshll.u32 s0, $0x1;
	s1 =	rddreg [dreg:$0x1]  }
0x7: {  	s23 =	simm.s32 $0x0;
	[smem:$0x7FF] =	sst s2;
	s3 =	sor.u32 s5, s31  }
0x8: {  	s4 =	sadd.s32 $0x1A000, s7;
	s8 =	ssub.s32 $0x2, s5;
	s3 =	smul.u32 $0x180, s3  }
0x9: {  	s6 =	sadd.s32 $0x14C00, s7;
	_ =	strace $0x80000047;
	s9 =	sshrl.u32 s8, $0x1  }
0xa: {  	s5 =	sadd.s32 $0x17600, s7;
	s14 =	ssub.s32 s8, s9;
	s13 =	sadd.s32 s3, s7  }
0xb: {  	s3 =	sadd.s32 $0x1CA00, s7;
	s7 =	sadd.s32 $0x12200, s7;
	s14 =	smax.u32 s14, $0x1  }
0xc: {  	s8 =	sadd.s32 $0xF200, s13;
	s9 =	sadd.s32 $0x3200, s13;
	s10 =	sadd.s32 $0x6200, s13  }
0xd: {  	s11 =	sadd.s32 $0x9200, s13;
	s12 =	sadd.s32 $0xC200, s13;
	s13 =	sadd.s32 $0x200, s13  }
.LBB2_1:
0xe: {  	[tilespmem:s2], [sflag:$0x2] =	stream.linear.gather [hbm4b:s8+s2], $0x900, $0x38;
	[tilespmem:$0x4800] =	vst v63  }
0xf: {  	_ =	swait.ge [sflag:s15], $0x900  }
0x10: {  	[sflag:s15] =	ssyncset.done $0x0  }
0x11: {  	[sflag:s15] =	ssyncadd.s32 $0xFFFFF700  }
0x12: {  	[tilespmem:s16], [sflag:$0x2] =	stream.linear.gather [hbm4b:s9+s2], $0x900, $0x38;
	[tilespmem:$0x4800] =	vst v63  }
0x13: {  	_ =	swait.ge [sflag:s15], $0x900  }
0x14: {  	[sflag:s15] =	ssyncset.done $0x0  }
0x15: {  	[sflag:s15] =	ssyncadd.s32 $0xFFFFF700  }
0x16: {  	[tilespmem:s17], [sflag:$0x2] =	stream.linear.gather [hbm4b:s10+s2], $0x900, $0x38;
	[tilespmem:$0x4800] =	vst v63  }
0x17: {  	_ =	swait.ge [sflag:s15], $0x900  }
0x18: {  	[sflag:s15] =	ssyncset.done $0x0  }
0x19: {  	[sflag:s15] =	ssyncadd.s32 $0xFFFFF700  }
0x1a: {  	[tilespmem:s18], [sflag:$0x2] =	stream.linear.gather [hbm4b:s11+s2], $0x900, $0x38;
	[tilespmem:$0x4800] =	vst v63  }
0x1b: {  	_ =	swait.ge [sflag:s15], $0x900  }
0x1c: {  	[sflag:s15] =	ssyncset.done $0x0  }
0x1d: {  	[sflag:s15] =	ssyncadd.s32 $0xFFFFF700  }
0x1e: {  	[tilespmem:s19], [sflag:$0x2] =	stream.linear.gather [hbm4b:s12+s2], $0x900, $0x38;
	[tilespmem:$0x4800] =	vst v63  }
0x1f: {  	_ =	swait.ge [sflag:s15], $0x900  }
0x20: {  	[sflag:s15] =	ssyncset.done $0x0  }
0x21: {  	[sflag:s15] =	ssyncadd.s32 $0xFFFFF700  }
0x22: {  	[tilespmem:s20], [sflag:$0x2] =	stream.linear.gather [hbm4b:s13+s2], $0x900, $0x38;
	[tilespmem:$0x4800] =	vst v63  }
0x23: {  	_ =	swait.ge [sflag:s15], $0x900  }
0x24: {  	[sflag:s15] =	ssyncset.done $0x0  }
0x25: {  	s24 =	simm.s32 $0x0;
	s25 =	simm.s32 $0xC00;
	[sflag:s15] =	ssyncadd.s32 $0xFFFFF700  }
0x26: {  	[hbm4b:s3+s21] =	stream.indirect.scatter [tilespmem:s25], [sflag:$0x1], $0x1, s24, s21, $0xb8;
	[tilespmem:$0x4800] =	vst v63  }
0x27: {  	s28 =	simm.s32 $0x1800  }
0x28: {  	[hbm4b:s4+s21] =	stream.indirect.scatter [tilespmem:s28], [sflag:$0x1], $0x1, s24, s21, $0xb8;
	[tilespmem:$0x4800] =	vst v63  }
0x29: {  	s29 =	simm.s32 $0x2400  }
0x2a: {  	[hbm4b:s5+s21] =	stream.indirect.scatter [tilespmem:s29], [sflag:$0x1], $0x1, s24, s21, $0xb8;
	[tilespmem:$0x4800] =	vst v63  }
0x2b: {  	s30 =	simm.s32 $0x3000  }
0x2c: {  	[hbm4b:s6+s21] =	stream.indirect.scatter [tilespmem:s30], [sflag:$0x1], $0x1, s24, s21, $0xb8;
	[tilespmem:$0x4800] =	vst v63  }
0x2d: {  	s31 =	simm.s32 $0x3C00  }
0x2e: {  	[hbm4b:s7+s21] =	stream.indirect.scatter [tilespmem:s31], [sflag:$0x1], $0x1, s24, s21, $0xb8;
	[tilespmem:$0x4800] =	vst v63  }
0x2f: {  	_ =	swait.ge [sflag:s22], $0x80  }
0x30: {  	[sflag:s22] =	ssyncset.done $0x0  }
0x31: {  	[sflag:s22] =	ssyncadd.s32 $0xFFFFFF80  }
0x32: {  	_ =	swait.ge [sflag:s22], $0x80  }
0x33: {  	[sflag:s22] =	ssyncset.done $0x0  }
0x34: {  	[sflag:s22] =	ssyncadd.s32 $0xFFFFFF80  }
0x35: {  	_ =	swait.ge [sflag:s22], $0x80  }
0x36: {  	[sflag:s22] =	ssyncset.done $0x0  }
0x37: {  	[sflag:s22] =	ssyncadd.s32 $0xFFFFFF80  }
0x38: {  	_ =	swait.ge [sflag:s22], $0x80  }
0x39: {  	[sflag:s22] =	ssyncset.done $0x0  }
0x3a: {  	[sflag:s22] =	ssyncadd.s32 $0xFFFFFF80  }
0x3b: {  	_ =	swait.ge [sflag:s22], $0x80  }
0x3c: {  	s25 =	simm.s32 $0x400;
	s24 =	simm.s32 $0x80;
	[sflag:s22] =	ssyncset.done $0x0  }
.LBB2_2:
0x3d: {  	s26 =	sadd.s32 $0xC00, s24  }
0x3e: {  	[sflag:s22] =	ssyncadd.s32 $0xFFFFFF80;
	s28 =	smov.u32 s25;
	s29 =	sadd.s32 $0x200, s25  }
0x3f: {  	[hbm4b:s3+s21] =	stream.indirect.scatter [tilespmem:s26], [sflag:$0x1], $0x1, s24, s21, $0xb8;
	[tilespmem:$0x4800] =	vst v63  }
0x40: {  	p0 =	sne.s32 s25, $0x2200;
	s25 =	sadd.s32 $0x1800, s24  }
0x41: {  	[hbm4b:s4+s21] =	stream.indirect.scatter [tilespmem:s25], [sflag:$0x1], $0x1, s24, s21, $0xb8;
	[tilespmem:$0x4800] =	vst v63  }
0x42: {  	s25 =	sadd.s32 $0x2400, s24  }
0x43: {  	[hbm4b:s5+s21] =	stream.indirect.scatter [tilespmem:s25], [sflag:$0x1], $0x1, s24, s21, $0xb8;
	[tilespmem:$0x4800] =	vst v63  }
0x44: {  	s25 =	sadd.s32 $0x3000, s24  }
0x45: {  	[hbm4b:s6+s21] =	stream.indirect.scatter [tilespmem:s25], [sflag:$0x1], $0x1, s24, s21, $0xb8;
	[tilespmem:$0x4800] =	vst v63  }
0x46: {  	s25 =	sadd.s32 $0x3C00, s24  }
0x47: {  	[hbm4b:s7+s21] =	stream.indirect.scatter [tilespmem:s25], [sflag:$0x1], $0x1, s24, s21, $0xb8;
	[tilespmem:$0x4800] =	vst v63  }
0x48: {  	_ =	swait.ge [sflag:s22], $0x80  }
0x49: {  	[sflag:s22] =	ssyncset.done $0x0  }
0x4a: {  	[sflag:s22] =	ssyncadd.s32 $0xFFFFFF80  }
0x4b: {  	_ =	swait.ge [sflag:s22], $0x80  }
0x4c: {  	[sflag:s22] =	ssyncset.done $0x0  }
0x4d: {  	[sflag:s22] =	ssyncadd.s32 $0xFFFFFF80  }
0x4e: {  	_ =	swait.ge [sflag:s22], $0x80  }
0x4f: {  	[sflag:s22] =	ssyncset.done $0x0  }
0x50: {  	[sflag:s22] =	ssyncadd.s32 $0xFFFFFF80  }
.Ltmp0:
0x51: {  	_ =	swait.ge [sflag:s22], $0x80;
	(pc) =	sbr.rel @p0 .LBB2_2-.Ltmp0, $4  }
0x52: {  	[sflag:s22] =	ssyncset.done $0x0  }
0x53: {  	[sflag:s22] =	ssyncadd.s32 $0xFFFFFF80  }
0x54: {  	_ =	swait.ge [sflag:s22], $0x80  }
0x55: {  	s24 =	sshra.s32 s28, $0x2;
	s25 =	smov.u32 s29;
	[sflag:s22] =	ssyncset.done $0x0  }
0x56: {  	s25 =	sadd.s32 $0xC00, s24;
	[sflag:s22] =	ssyncadd.s32 $0xFFFFFF80  }
0x57: {  	[hbm4b:s3+s21] =	stream.indirect.scatter [tilespmem:s25], [sflag:$0x1], $0x1, s24, s21, $0xb8;
	[tilespmem:$0x4800] =	vst v63  }
0x58: {  	s28 =	sadd.s32 $0x1800, s24  }
0x59: {  	[hbm4b:s4+s21] =	stream.indirect.scatter [tilespmem:s28], [sflag:$0x1], $0x1, s24, s21, $0xb8;
	[tilespmem:$0x4800] =	vst v63  }
0x5a: {  	s29 =	sadd.s32 $0x2400, s24  }
0x5b: {  	[hbm4b:s5+s21] =	stream.indirect.scatter [tilespmem:s29], [sflag:$0x1], $0x1, s24, s21, $0xb8;
	[tilespmem:$0x4800] =	vst v63  }
0x5c: {  	s30 =	sadd.s32 $0x3000, s24  }
0x5d: {  	[hbm4b:s6+s21] =	stream.indirect.scatter [tilespmem:s30], [sflag:$0x1], $0x1, s24, s21, $0xb8;
	[tilespmem:$0x4800] =	vst v63  }
0x5e: {  	s31 =	sadd.s32 $0x3C00, s24  }
0x5f: {  	[hbm4b:s7+s21] =	stream.indirect.scatter [tilespmem:s31], [sflag:$0x1], $0x1, s24, s21, $0xb8;
	[tilespmem:$0x4800] =	vst v63  }
0x60: {  	_ =	swait.ge [sflag:s22], $0x80  }
0x61: {  	[sflag:s22] =	ssyncset.done $0x0  }
0x62: {  	[sflag:s22] =	ssyncadd.s32 $0xFFFFFF80  }
0x63: {  	_ =	swait.ge [sflag:s22], $0x80  }
0x64: {  	[sflag:s22] =	ssyncset.done $0x0  }
0x65: {  	[sflag:s22] =	ssyncadd.s32 $0xFFFFFF80  }
0x66: {  	_ =	swait.ge [sflag:s22], $0x80  }
0x67: {  	[sflag:s22] =	ssyncset.done $0x0  }
0x68: {  	s23 =	sadd.s32 $0x1, s23;
	[sflag:s22] =	ssyncadd.s32 $0xFFFFFF80  }
0x69: {  	p0 =	sne.s32 s23, s14;
	_ =	swait.ge [sflag:s22], $0x80  }
.Ltmp1:
0x6a: {  	[sflag:s22] =	ssyncset.done $0x0;
	(pc) =	sbr.rel @p0 .LBB2_1-.Ltmp1, $4  }
0x6b: {  	[sflag:s22] =	ssyncadd.s32 $0xFFFFFF80  }
0x6c: {  	_ =	swait.ge [sflag:s22], $0x80  }
0x6d: {  	[sflag:s22] =	ssyncset.done $0x0  }
0x6e: {  	[sflag:s22] =	ssyncadd.s32 $0xFFFFFF80  }
0x6f: {  	_ =	sfence.sel $0x180000  }
0x70: {  	[bflag:$0x0] =	sbarrier.arrive $0xFFFF  }
0x71: {  	p0 =	sne.s32 s0, $0x0;
	_ =	strace $0x90000047  }
0x72: {  	s0 =	sadd.s32 @!p0 $0x100000, s1;
	[bflag:$0x2] =	sbarrier.arrive $0xFFFF  }
0x73: {  	[sflag:s0] =	ssyncadd.tile.s32 @!p0 $0x1;
	_ =	shalt  }
.Lfunc_end2:
_tile_overlayer_lowered:
.L_overlay_start_2:
0x74: {  	(tag) =	ssettag $0x2  }
0x75: {  	s0 =	rddreg [dreg:$0x0];
	s2 =	stileid.u32  }
0x76: {  	s1 =	rddreg [dreg:$0x1];
	p0 =	sne.s32 s2, $0x0  }
0x77: {  	s3 =	rddreg [dreg:$0x2];
	[bflag:$0x3] =	sbarrier.arrive $0xFFFF;
	s2 =	simm.s32 @!p0 $0x1C02  }
0x78: {  	[timem:s3], [sflag:s2] =	dma.local @!p0 [hbm:s0], s1  }
0x79: {  	s0 =	simm.s32 @!p0 $0x2  }
0x7a: {  	_ =	swait.ge @!p0 [sflag:s0], s1  }
0x7b: {  	s1 =	ssub.s32 @!p0 $0x0, s1;
	[sflag:s0] =	ssyncset.done @!p0 $0x0  }
0x7c: {  	[sflag:s0] =	ssyncadd.s32 @!p0 s1  }
0x7d: {  	[bflag:$0x3] =	sbarrier.arrive $0xFFFF  }
0x7e: {  	_ =	shalt  }

</sc_bundles>
